<compile_context>
chip_gen: v7x
topology: tpu7x:2x2x1
jax: 0.10.2.dev20260603
libtpu: 0.0.44.dev20260713+nightly
codegen_flags: <defaults>
</compile_context>

<pallas_src>
import functools

import jax
import jax.numpy as jnp
from jax import lax
from jax.experimental import pallas as pl
from jax.experimental.pallas import tpu as pltpu
from jax.experimental.pallas import tpu_sc as plsc

VOCAB = 100000
DIM = 128
BATCH = 4096
NEG = 200
EPS = 1e-5

NC = 2
NS = 16
NW = NC * NS
BPW = BATCH // NW
NCHUNK = 2
CHUNK = 104
VALID = NEG // NCHUNK
LANES = 16
PAIR_ROWS = 112


def _sqrt16(y):
    i = lax.bitcast_convert_type(y, jnp.int32)
    i = jnp.int32(0x5F3759DF) - lax.shift_right_logical(i, 1)
    r = lax.bitcast_convert_type(i, jnp.float32)
    for _ in range(3):
        r = r * (1.5 - 0.5 * y * r * r)
    return y * r


def _escore16(sq, un, nn):
    x = 1.0 + 2.0 * sq / ((1.0 - un) * (1.0 - nn) + EPS)
    x = jnp.maximum(x, 1.0 + EPS)
    y = (x - 1.0) * (x + 1.0)
    return 1.0 / (x + _sqrt16(y))


def _sc_body(weight_hbm, uidx_hbm, vidx_hbm, nidx_hbm,
             numer_hbm, partial_hbm,
             uidx_v, vidx_v, nidx_v, urows_v, vrows_v, nbuf_v,
             st_uu, numer_stage, dacc_v, pstage_v,
             sem, sem2):
    wid = lax.axis_index("s") * NC + lax.axis_index("c")
    lane_iota = lax.iota(jnp.int32, LANES)
    zeros16 = jnp.zeros((LANES,), jnp.float32)

    pltpu.sync_copy(uidx_hbm.at[wid], uidx_v)
    pltpu.sync_copy(vidx_hbm.at[wid], vidx_v)
    pltpu.sync_copy(nidx_hbm.at[wid], nidx_v)
    ucp = pltpu.make_async_copy(weight_hbm.at[uidx_v], urows_v, sem2)
    vcp = pltpu.make_async_copy(weight_hbm.at[vidx_v], vrows_v, sem2)
    ucp.start()
    vcp.start()
    pltpu.make_async_copy(weight_hbm.at[nidx_v.at[0, 0]],
                          nbuf_v.at[0, pl.ds(0, CHUNK)], sem).start()
    ucp.wait()
    vcp.wait()

    dacc_v[...] = zeros16

    def numer_group(g, carry):
        bvec = g * LANES + lane_iota

        def d_step(dq, accs):
            acc_uv, acc_uu, acc_vv = accs
            for k in range(LANES):
                dsplat = jnp.full((LANES,), dq * LANES + k, jnp.int32)
                ucol = plsc.load_gather(urows_v, [bvec, dsplat])
                vcol = plsc.load_gather(vrows_v, [bvec, dsplat])
                acc_uv = acc_uv + ucol * vcol
                acc_uu = acc_uu + ucol * ucol
                acc_vv = acc_vv + vcol * vcol
            return (acc_uv, acc_uu, acc_vv)

        acc_uv, acc_uu, acc_vv = lax.fori_loop(
            0, DIM // LANES, d_step, (zeros16, zeros16, zeros16))
        sl = pl.ds(g * LANES, LANES)
        st_uu[sl] = acc_uu
        sq = acc_uu + acc_vv - 2.0 * acc_uv
        numer_stage[sl] = _escore16(sq, acc_uu, acc_vv)
        return carry

    lax.fori_loop(0, BPW // LANES, numer_group, 0)
    pltpu.sync_copy(numer_stage, numer_hbm.at[wid])

    nslots = BPW * NCHUNK

    def neg_slot(s, carry):
        b = lax.shift_right_logical(s, 1)
        c = lax.bitwise_and(s, 1)
        pltpu.make_async_copy(weight_hbm.at[nidx_v.at[b, c]],
                              nbuf_v.at[c, pl.ds(0, CHUNK)], sem).wait()

        @pl.when(s + 1 < nslots)
        def _():
            sn = s + 1
            bn = lax.shift_right_logical(sn, 1)
            cn = lax.bitwise_and(sn, 1)
            pltpu.make_async_copy(weight_hbm.at[nidx_v.at[bn, cn]],
                                  nbuf_v.at[cn, pl.ds(0, CHUNK)], sem).start()

        un = st_uu[pl.ds(b, LANES)][0]
        csplat = jnp.full((LANES,), c, jnp.int32)

        def pair_group(g, gc):
            rowvec = g * LANES + lane_iota

            def d_step(dq, accs):
                acc_d, acc_n = accs
                uvec = urows_v[b, pl.ds(dq * LANES, LANES)]
                for k in range(LANES):
                    dsplat = jnp.full((LANES,), dq * LANES + k, jnp.int32)
                    col = plsc.load_gather(nbuf_v, [csplat, rowvec, dsplat])
                    acc_d = acc_d + col * uvec[k]
                    acc_n = acc_n + col * col
                return (acc_d, acc_n)

            acc_d, acc_n = lax.fori_loop(
                0, DIM // LANES, d_step, (zeros16, zeros16))
            sq = un + acc_n - 2.0 * acc_d
            e = _escore16(sq, un, acc_n)
            mask = (g * LANES + lane_iota) < VALID
            dacc_v[...] = dacc_v[...] + jnp.where(mask, e, 0.0)
            return gc

        lax.fori_loop(0, CHUNK // LANES + 1, pair_group, 0)
        return carry

    lax.fori_loop(0, nslots, neg_slot, 0)

    dsum = jnp.sum(dacc_v[...])
    zvec = jnp.where(lane_iota == 0, dsum, 0.0)
    for i in range(DIM // LANES):
        pstage_v[pl.ds(i * LANES, LANES)] = zvec if i == 0 else zeros16
    pltpu.sync_copy(pstage_v, partial_hbm.at[wid])


def _make_sc_kernel():
    mesh = plsc.VectorSubcoreMesh(core_axis_name="c", subcore_axis_name="s")
    return functools.partial(
        pl.kernel, _sc_body, mesh=mesh,
        compiler_params=pltpu.CompilerParams(needs_layout_passes=False),
        out_type=(
            jax.ShapeDtypeStruct((NW, BPW), jnp.float32),
            jax.ShapeDtypeStruct((NW, DIM), jnp.float32),
        ),
        scratch_types=[
            pltpu.VMEM((BPW,), jnp.int32),
            pltpu.VMEM((BPW,), jnp.int32),
            pltpu.VMEM((BPW, NCHUNK, CHUNK), jnp.int32),
            pltpu.VMEM((BPW, DIM), jnp.float32),
            pltpu.VMEM((BPW, DIM), jnp.float32),
            pltpu.VMEM((NCHUNK, PAIR_ROWS, DIM), jnp.float32),
            pltpu.VMEM((BPW + LANES,), jnp.float32),
            pltpu.VMEM((BPW,), jnp.float32),
            pltpu.VMEM((LANES,), jnp.float32),
            pltpu.VMEM((DIM,), jnp.float32),
            pltpu.SemaphoreType.DMA,
            pltpu.SemaphoreType.DMA,
        ],
    )()


def _combine_body(numer_ref, partial_ref, out_ref):
    denom = jnp.sum(partial_ref[...])
    out_ref[...] = numer_ref[...] * (1.0 / denom)


def kernel(weight, u, v, negatives):
    u32 = u.astype(jnp.int32).reshape(NW, BPW)
    v32 = v.astype(jnp.int32).reshape(NW, BPW)
    neg = negatives.astype(jnp.int32)
    pad = jnp.zeros((BATCH, CHUNK - VALID), jnp.int32)
    neg = jnp.concatenate(
        [neg[:, :VALID], pad, neg[:, VALID:], pad], axis=1)
    neg = neg.reshape(NW, BPW, NCHUNK, CHUNK)

    numer, partials = _make_sc_kernel()(weight, u32, v32, neg)

    res = pl.pallas_call(
        _combine_body,
        out_shape=jax.ShapeDtypeStruct((NW, BPW), jnp.float32),
    )(numer, partials)
    return res.reshape(BATCH)

# --- scband reference (transcript-rebuilt; emitter-appended) ---
"""Pipeline reference for scband-model-34187939676638 (READ-ONLY COPY).

The authoritative reference and input builder live on the scoring server;
editing this copy changes nothing except your own understanding.
"""

import jax, jax.numpy as jnp
import numpy as np

VOCAB = 100000
DIM = 128
BATCH = 4096
NEG = 200
EPS = 1e-5

def hyperbolic_distance(u, v):
    # Poincare ball distance: arcosh(1 + 2||u-v||^2 / ((1-||u||^2)(1-||v||^2)))
    sq_dist = jnp.sum((u - v) ** 2, axis=-1)
    u_norm = jnp.sum(u ** 2, axis=-1)
    v_norm = jnp.sum(v ** 2, axis=-1)
    x = 1.0 + 2.0 * sq_dist / ((1.0 - u_norm) * (1.0 - v_norm) + EPS)
    x = jnp.maximum(x, 1.0 + EPS)
    return jnp.arccosh(x)

def setup_inputs(seed: int = 0) -> dict:
    key = jax.random.key(seed)
    k1, k2, k3, k4 = jax.random.split(key, 4)
    u = jax.random.randint(k1, (BATCH,), 0, VOCAB, dtype=jnp.int64) if jax.config.jax_enable_x64 else jax.random.randint(k1, (BATCH,), 0, VOCAB, dtype=jnp.int32)
    v = jax.random.randint(k2, (BATCH,), 0, VOCAB, dtype=u.dtype)
    negatives = jax.random.randint(k3, (BATCH, NEG), 0, VOCAB, dtype=u.dtype)
    # nn.Embedding weight, initialized uniform_(-0.001, 0.001) per the module
    weight = jax.random.uniform(k4, (VOCAB, DIM), dtype=jnp.float32, minval=-0.001, maxval=0.001)
    return {"weight": weight, "u": u, "v": v, "negatives": negatives}

def reference(weight, u, v, negatives):
    u_emb = jnp.take(weight, u, axis=0)            # [B, D]
    v_emb = jnp.take(weight, v, axis=0)            # [B, D]
    neg_emb = jnp.take(weight, negatives, axis=0)  # [B, K, D]
    numer = jnp.exp(-1.0 * hyperbolic_distance(u_emb, v_emb))              # [B]
    denom = jnp.exp(-1.0 * hyperbolic_distance(u_emb[:, None, :], neg_emb))  # [B, K]
    denom = jnp.sum(denom)  # torch.sum over all elements -> scalar
    res = numer / denom
    return res

if __name__ == "__main__":
    import jax
    _d = setup_inputs()
    print(jax.jit(kernel)(*tuple(_d.values())))

</pallas_src>

<mosaic_0001>
#map = affine_map<(d0, d1) -> (0, 0)>
#map1 = affine_map<(d0, d1) -> (0, 0, 0, 0)>
module attributes {stable_mosaic.version = 14 : i64} {
  func.func @_sc_body(%arg0: i32, %arg1: i32, %arg2: memref<100000x128xf32, #tpu.memory_space<hbm>>, %arg3: memref<32x128xi32, #tpu.memory_space<hbm>>, %arg4: memref<32x128xi32, #tpu.memory_space<hbm>>, %arg5: memref<32x128x2x104xi32, #tpu.memory_space<hbm>>, %arg6: memref<32x128xf32, #tpu.memory_space<hbm>>, %arg7: memref<32x128xf32, #tpu.memory_space<hbm>>, %arg8: memref<128xi32, #tpu.memory_space<vmem>>, %arg9: memref<128xi32, #tpu.memory_space<vmem>>, %arg10: memref<128x2x104xi32, #tpu.memory_space<vmem>>, %arg11: memref<128x128xf32, #tpu.memory_space<vmem>>, %arg12: memref<128x128xf32, #tpu.memory_space<vmem>>, %arg13: memref<2x112x128xf32, #tpu.memory_space<vmem>>, %arg14: memref<144xf32, #tpu.memory_space<vmem>>, %arg15: memref<128xf32, #tpu.memory_space<vmem>>, %arg16: memref<16xf32, #tpu.memory_space<vmem>>, %arg17: memref<128xf32, #tpu.memory_space<vmem>>, %arg18: memref<!tpu.dma_semaphore, #tpu.memory_space<semaphore_mem>>, %arg19: memref<!tpu.dma_semaphore, #tpu.memory_space<semaphore_mem>>) attributes {dimension_semantics = [#tpu.dimension_semantics<core_parallel>, #tpu.dimension_semantics<subcore_parallel>], iteration_bounds = array<i64: 2, 16>, scalar_prefetch = 0 : i64, scratch_operands = 12 : i64, tpu.core_type = #tpu.core_type<sc_vector_subcore>, window_params = [{transform_indices = #map}, {transform_indices = #map}, {transform_indices = #map}, {transform_indices = #map1}, {transform_indices = #map}, {transform_indices = #map}]} {
    %mul3A = arith.constant 2 : i32
    %mul3A_0 = arith.muli %arg1, %mul3A : i32
    %add3A = arith.addi %mul3A_0, %arg0 : i32
    %iota3A = tpu.iota {dimensions = array<i32: 0>} : vector<16xi32>
    %broadcast_in_dim3A = arith.constant 0.000000e+00 : f32
    %broadcast_in_dim3A_1 = vector.broadcast %broadcast_in_dim3A : f32 to vector<16xf32>
    "tpu.region"() ({
      %run_scoped3A = tpu.sem_alloc : memref<!tpu.dma_semaphore, #tpu.memory_space<semaphore_mem>>
      %dma_start3A_61 = arith.constant 0 : i32
      %dma_start3A_62 = tpu.memref_slice %arg3[%add3A, %dma_start3A_61] : memref<32x128xi32, #tpu.memory_space<hbm>> -> memref<1x128xi32, #tpu.memory_space<hbm>>
      %dma_start3A_63 = tpu.memref_squeeze %dma_start3A_62 : memref<1x128xi32, #tpu.memory_space<hbm>> -> memref<128xi32, #tpu.memory_space<hbm>>
      %dma_start3A_64 = arith.constant 0 : i32
      %dma_start3A_65 = tpu.memref_slice %arg3[%add3A, %dma_start3A_64] : memref<32x128xi32, #tpu.memory_space<hbm>> -> memref<1x128xi32, #tpu.memory_space<hbm>>
      %dma_start3A_66 = tpu.memref_squeeze %dma_start3A_65 : memref<1x128xi32, #tpu.memory_space<hbm>> -> memref<128xi32, #tpu.memory_space<hbm>>
      tpu.enqueue_dma source(%dma_start3A_66 : memref<128xi32, #tpu.memory_space<hbm>>) target(%arg8 : memref<128xi32, #tpu.memory_space<vmem>>) target_semaphore(%run_scoped3A : memref<!tpu.dma_semaphore, #tpu.memory_space<semaphore_mem>>)
      %dma_wait3A_67 = arith.constant 0 : i32
      %dma_wait3A_68 = tpu.memref_slice %arg3[%add3A, %dma_wait3A_67] : memref<32x128xi32, #tpu.memory_space<hbm>> -> memref<1x128xi32, #tpu.memory_space<hbm>>
      %dma_wait3A_69 = tpu.memref_squeeze %dma_wait3A_68 : memref<1x128xi32, #tpu.memory_space<hbm>> -> memref<128xi32, #tpu.memory_space<hbm>>
      %dma_wait3A_70 = arith.constant 0 : i32
      %dma_wait3A_71 = tpu.memref_slice %arg3[%add3A, %dma_wait3A_70] : memref<32x128xi32, #tpu.memory_space<hbm>> -> memref<1x128xi32, #tpu.memory_space<hbm>>
      %dma_wait3A_72 = tpu.memref_squeeze %dma_wait3A_71 : memref<1x128xi32, #tpu.memory_space<hbm>> -> memref<128xi32, #tpu.memory_space<hbm>>
      tpu.wait_dma2 semaphore(%run_scoped3A : memref<!tpu.dma_semaphore, #tpu.memory_space<semaphore_mem>>) src(%dma_wait3A_72 : memref<128xi32, #tpu.memory_space<hbm>>) dst(%arg8 : memref<128xi32, #tpu.memory_space<vmem>>)
      tpu.yield
    }) : () -> ()
    "tpu.region"() ({
      %run_scoped3A = tpu.sem_alloc : memref<!tpu.dma_semaphore, #tpu.memory_space<semaphore_mem>>
      %dma_start3A_61 = arith.constant 0 : i32
      %dma_start3A_62 = tpu.memref_slice %arg4[%add3A, %dma_start3A_61] : memref<32x128xi32, #tpu.memory_space<hbm>> -> memref<1x128xi32, #tpu.memory_space<hbm>>
      %dma_start3A_63 = tpu.memref_squeeze %dma_start3A_62 : memref<1x128xi32, #tpu.memory_space<hbm>> -> memref<128xi32, #tpu.memory_space<hbm>>
      %dma_start3A_64 = arith.constant 0 : i32
      %dma_start3A_65 = tpu.memref_slice %arg4[%add3A, %dma_start3A_64] : memref<32x128xi32, #tpu.memory_space<hbm>> -> memref<1x128xi32, #tpu.memory_space<hbm>>
      %dma_start3A_66 = tpu.memref_squeeze %dma_start3A_65 : memref<1x128xi32, #tpu.memory_space<hbm>> -> memref<128xi32, #tpu.memory_space<hbm>>
      tpu.enqueue_dma source(%dma_start3A_66 : memref<128xi32, #tpu.memory_space<hbm>>) target(%arg9 : memref<128xi32, #tpu.memory_space<vmem>>) target_semaphore(%run_scoped3A : memref<!tpu.dma_semaphore, #tpu.memory_space<semaphore_mem>>)
      %dma_wait3A_67 = arith.constant 0 : i32
      %dma_wait3A_68 = tpu.memref_slice %arg4[%add3A, %dma_wait3A_67] : memref<32x128xi32, #tpu.memory_space<hbm>> -> memref<1x128xi32, #tpu.memory_space<hbm>>
      %dma_wait3A_69 = tpu.memref_squeeze %dma_wait3A_68 : memref<1x128xi32, #tpu.memory_space<hbm>> -> memref<128xi32, #tpu.memory_space<hbm>>
      %dma_wait3A_70 = arith.constant 0 : i32
      %dma_wait3A_71 = tpu.memref_slice %arg4[%add3A, %dma_wait3A_70] : memref<32x128xi32, #tpu.memory_space<hbm>> -> memref<1x128xi32, #tpu.memory_space<hbm>>
      %dma_wait3A_72 = tpu.memref_squeeze %dma_wait3A_71 : memref<1x128xi32, #tpu.memory_space<hbm>> -> memref<128xi32, #tpu.memory_space<hbm>>
      tpu.wait_dma2 semaphore(%run_scoped3A : memref<!tpu.dma_semaphore, #tpu.memory_space<semaphore_mem>>) src(%dma_wait3A_72 : memref<128xi32, #tpu.memory_space<hbm>>) dst(%arg9 : memref<128xi32, #tpu.memory_space<vmem>>)
      tpu.yield
    }) : () -> ()
    "tpu.region"() ({
      %run_scoped3A = tpu.sem_alloc : memref<!tpu.dma_semaphore, #tpu.memory_space<semaphore_mem>>
      %dma_start3A_61 = arith.constant 0 : i32
      %dma_start3A_62 = arith.constant 0 : i32
      %dma_start3A_63 = arith.constant 0 : i32
      %dma_start3A_64 = tpu.memref_slice %arg5[%add3A, %dma_start3A_61, %dma_start3A_62, %dma_start3A_63] : memref<32x128x2x104xi32, #tpu.memory_space<hbm>> -> memref<1x128x2x104xi32, #tpu.memory_space<hbm>>
      %dma_start3A_65 = tpu.memref_squeeze %dma_start3A_64 : memref<1x128x2x104xi32, #tpu.memory_space<hbm>> -> memref<128x2x104xi32, #tpu.memory_space<hbm>>
      %dma_start3A_66 = arith.constant 0 : i32
      %dma_start3A_67 = arith.constant 0 : i32
      %dma_start3A_68 = arith.constant 0 : i32
      %dma_start3A_69 = tpu.memref_slice %arg5[%add3A, %dma_start3A_66, %dma_start3A_67, %dma_start3A_68] : memref<32x128x2x104xi32, #tpu.memory_space<hbm>> -> memref<1x128x2x104xi32, #tpu.memory_space<hbm>>
      %dma_start3A_70 = tpu.memref_squeeze %dma_start3A_69 : memref<1x128x2x104xi32, #tpu.memory_space<hbm>> -> memref<128x2x104xi32, #tpu.memory_space<hbm>>
      tpu.enqueue_dma source(%dma_start3A_70 : memref<128x2x104xi32, #tpu.memory_space<hbm>>) target(%arg10 : memref<128x2x104xi32, #tpu.memory_space<vmem>>) target_semaphore(%run_scoped3A : memref<!tpu.dma_semaphore, #tpu.memory_space<semaphore_mem>>)
      %dma_wait3A_71 = arith.constant 0 : i32
      %dma_wait3A_72 = arith.constant 0 : i32
      %dma_wait3A_73 = arith.constant 0 : i32
      %dma_wait3A_74 = tpu.memref_slice %arg5[%add3A, %dma_wait3A_71, %dma_wait3A_72, %dma_wait3A_73] : memref<32x128x2x104xi32, #tpu.memory_space<hbm>> -> memref<1x128x2x104xi32, #tpu.memory_space<hbm>>
      %dma_wait3A_75 = tpu.memref_squeeze %dma_wait3A_74 : memref<1x128x2x104xi32, #tpu.memory_space<hbm>> -> memref<128x2x104xi32, #tpu.memory_space<hbm>>
      %dma_wait3A_76 = arith.constant 0 : i32
      %dma_wait3A_77 = arith.constant 0 : i32
      %dma_wait3A_78 = arith.constant 0 : i32
      %dma_wait3A_79 = tpu.memref_slice %arg5[%add3A, %dma_wait3A_76, %dma_wait3A_77, %dma_wait3A_78] : memref<32x128x2x104xi32, #tpu.memory_space<hbm>> -> memref<1x128x2x104xi32, #tpu.memory_space<hbm>>
      %dma_wait3A_80 = tpu.memref_squeeze %dma_wait3A_79 : memref<1x128x2x104xi32, #tpu.memory_space<hbm>> -> memref<128x2x104xi32, #tpu.memory_space<hbm>>
      tpu.wait_dma2 semaphore(%run_scoped3A : memref<!tpu.dma_semaphore, #tpu.memory_space<semaphore_mem>>) src(%dma_wait3A_80 : memref<128x2x104xi32, #tpu.memory_space<hbm>>) dst(%arg10 : memref<128x2x104xi32, #tpu.memory_space<vmem>>)
      tpu.yield
    }) : () -> ()
    %dma_start3A = arith.constant 0 : i32
    %dma_start3A_2 = arith.constant 0 : i32
    %dma_start3A_3 = tpu.memref_slice %arg2[%dma_start3A, %dma_start3A_2] : memref<100000x128xf32, #tpu.memory_space<hbm>> -> memref<100000x128xf32, #tpu.memory_space<hbm>>
    tpu.enqueue_indirect_dma source(%dma_start3A_3 : memref<100000x128xf32, #tpu.memory_space<hbm>>) target(%arg11 : memref<128x128xf32, #tpu.memory_space<vmem>>) offsets(%arg8 : memref<128xi32, #tpu.memory_space<vmem>>) semaphore(%arg19 : memref<!tpu.dma_semaphore, #tpu.memory_space<semaphore_mem>>)
    %dma_start3A_4 = arith.constant 0 : i32
    %dma_start3A_5 = arith.constant 0 : i32
    %dma_start3A_6 = tpu.memref_slice %arg2[%dma_start3A_4, %dma_start3A_5] : memref<100000x128xf32, #tpu.memory_space<hbm>> -> memref<100000x128xf32, #tpu.memory_space<hbm>>
    tpu.enqueue_indirect_dma source(%dma_start3A_6 : memref<100000x128xf32, #tpu.memory_space<hbm>>) target(%arg12 : memref<128x128xf32, #tpu.memory_space<vmem>>) offsets(%arg9 : memref<128xi32, #tpu.memory_space<vmem>>) semaphore(%arg19 : memref<!tpu.dma_semaphore, #tpu.memory_space<semaphore_mem>>)
    %dma_start3A_7 = arith.constant 0 : i32
    %dma_start3A_8 = arith.constant 0 : i32
    %dma_start3A_9 = arith.constant 0 : i32
    %dma_start3A_10 = arith.constant 0 : i32
    %dma_start3A_11 = arith.constant 0 : i32
    %dma_start3A_12 = tpu.memref_slice %arg13[%dma_start3A_9, %dma_start3A_10, %dma_start3A_11] : memref<2x112x128xf32, #tpu.memory_space<vmem>> -> memref<1x104x128xf32, #tpu.memory_space<vmem>>
    %dma_start3A_13 = tpu.memref_squeeze %dma_start3A_12 : memref<1x104x128xf32, #tpu.memory_space<vmem>> -> memref<104x128xf32, #tpu.memory_space<vmem>>
    %dma_start3A_14 = arith.constant 0 : i32
    %dma_start3A_15 = tpu.memref_slice %arg10[%dma_start3A_7, %dma_start3A_8, %dma_start3A_14] : memref<128x2x104xi32, #tpu.memory_space<vmem>> -> memref<1x1x104xi32, #tpu.memory_space<vmem>>
    %dma_start3A_16 = tpu.memref_squeeze %dma_start3A_15 : memref<1x1x104xi32, #tpu.memory_space<vmem>> -> memref<104xi32, #tpu.memory_space<vmem>>
    %dma_start3A_17 = arith.constant 0 : i32
    %dma_start3A_18 = arith.constant 0 : i32
    %dma_start3A_19 = tpu.memref_slice %arg2[%dma_start3A_17, %dma_start3A_18] : memref<100000x128xf32, #tpu.memory_space<hbm>> -> memref<100000x128xf32, #tpu.memory_space<hbm>>
    tpu.enqueue_indirect_dma source(%dma_start3A_19 : memref<100000x128xf32, #tpu.memory_space<hbm>>) target(%dma_start3A_13 : memref<104x128xf32, #tpu.memory_space<vmem>>) offsets(%dma_start3A_16 : memref<104xi32, #tpu.memory_space<vmem>>) semaphore(%arg18 : memref<!tpu.dma_semaphore, #tpu.memory_space<semaphore_mem>>)
    %dma_wait3A = arith.constant 0 : i32
    %dma_wait3A_20 = arith.constant 0 : i32
    %dma_wait3A_21 = tpu.memref_slice %arg2[%dma_wait3A, %dma_wait3A_20] : memref<100000x128xf32, #tpu.memory_space<hbm>> -> memref<100000x128xf32, #tpu.memory_space<hbm>>
    tpu.wait_indirect_dma semaphore(%arg19 : memref<!tpu.dma_semaphore, #tpu.memory_space<semaphore_mem>>) src(%dma_wait3A_21 : memref<100000x128xf32, #tpu.memory_space<hbm>>) dst(%arg11 : memref<128x128xf32, #tpu.memory_space<vmem>>)
    %dma_wait3A_22 = arith.constant 0 : i32
    %dma_wait3A_23 = arith.constant 0 : i32
    %dma_wait3A_24 = tpu.memref_slice %arg2[%dma_wait3A_22, %dma_wait3A_23] : memref<100000x128xf32, #tpu.memory_space<hbm>> -> memref<100000x128xf32, #tpu.memory_space<hbm>>
    tpu.wait_indirect_dma semaphore(%arg19 : memref<!tpu.dma_semaphore, #tpu.memory_space<semaphore_mem>>) src(%dma_wait3A_24 : memref<100000x128xf32, #tpu.memory_space<hbm>>) dst(%arg12 : memref<128x128xf32, #tpu.memory_space<vmem>>)
    %swap3A = arith.constant 0 : index
    %swap3A_25 = tpu.vector_load %arg16[%swap3A] {strides = array<i32>} : memref<16xf32, #tpu.memory_space<vmem>>, vector<16xf32>,
    tpu.vector_store %arg16[%swap3A], %broadcast_in_dim3A_1 {strides = array<i32>} : memref<16xf32, #tpu.memory_space<vmem>>, vector<16xf32>,
    %scan3A = arith.constant 0 : i32
    %scan3A_26 = arith.constant 0 : i32
    %scan3A_27 = arith.constant 8 : i32
    %scan3A_28 = arith.addi %scan3A_26, %scan3A_27 : i32
    %scan3A_29 = arith.constant 1 : i32
    scf.for %scan3A_61 = %scan3A_26 to %scan3A_28 step %scan3A_29  : i32 {
      %mul3A_62 = arith.constant 16 : i32
      %mul3A_63 = arith.muli %scan3A_61, %mul3A_62 : i32
      %add3A_64 = vector.broadcast %mul3A_63 : i32 to vector<16xi32>
      %add3A_65 = arith.addi %add3A_64, %iota3A : vector<16xi32>
      %scan3A_66 = arith.constant 0 : i32
      %scan3A_67 = arith.constant 8 : i32
      %scan3A_68 = arith.addi %scan3A_66, %scan3A_67 : i32
      %scan3A_69 = arith.constant 1 : i32
      %scan3A_70:3 = scf.for %scan3A_145 = %scan3A_66 to %scan3A_68 step %scan3A_69 iter_args(%scan3A_146 = %broadcast_in_dim3A_1, %scan3A_147 = %broadcast_in_dim3A_1, %scan3A_148 = %broadcast_in_dim3A_1) -> (vector<16xf32>, vector<16xf32>, vector<16xf32>)  : i32 {
        %mul3A_149 = arith.constant 16 : i32
        %mul3A_150 = arith.muli %scan3A_145, %mul3A_149 : i32
        %add3A_151 = arith.constant 0 : i32
        %add3A_152 = arith.addi %mul3A_150, %add3A_151 : i32
        %broadcast_in_dim3A_153 = vector.broadcast %add3A_152 : i32 to vector<16xi32>
        %gather3A = tpu.vector_load_idx %arg11[%add3A_65, %broadcast_in_dim3A_153] : memref<128x128xf32, #tpu.memory_space<vmem>>[vector<16xi32>, vector<16xi32>], vector<16xf32>,
        %gather3A_154 = tpu.vector_load_idx %arg12[%add3A_65, %broadcast_in_dim3A_153] : memref<128x128xf32, #tpu.memory_space<vmem>>[vector<16xi32>, vector<16xi32>], vector<16xf32>,
        %mul3A_155 = arith.mulf %gather3A, %gather3A_154 : vector<16xf32>
        %add3A_156 = arith.addf %scan3A_146, %mul3A_155 : vector<16xf32>
        %mul3A_157 = arith.mulf %gather3A, %gather3A : vector<16xf32>
        %add3A_158 = arith.addf %scan3A_147, %mul3A_157 : vector<16xf32>
        %mul3A_159 = arith.mulf %gather3A_154, %gather3A_154 : vector<16xf32>
        %add3A_160 = arith.addf %scan3A_148, %mul3A_159 : vector<16xf32>
        %mul3A_161 = arith.constant 16 : i32
        %mul3A_162 = arith.muli %scan3A_145, %mul3A_161 : i32
        %add3A_163 = arith.constant 1 : i32
        %add3A_164 = arith.addi %mul3A_162, %add3A_163 : i32
        %broadcast_in_dim3A_165 = vector.broadcast %add3A_164 : i32 to vector<16xi32>
        %gather3A_166 = tpu.vector_load_idx %arg11[%add3A_65, %broadcast_in_dim3A_165] : memref<128x128xf32, #tpu.memory_space<vmem>>[vector<16xi32>, vector<16xi32>], vector<16xf32>,
        %gather3A_167 = tpu.vector_load_idx %arg12[%add3A_65, %broadcast_in_dim3A_165] : memref<128x128xf32, #tpu.memory_space<vmem>>[vector<16xi32>, vector<16xi32>], vector<16xf32>,
        %mul3A_168 = arith.mulf %gather3A_166, %gather3A_167 : vector<16xf32>
        %add3A_169 = arith.addf %add3A_156, %mul3A_168 : vector<16xf32>
        %mul3A_170 = arith.mulf %gather3A_166, %gather3A_166 : vector<16xf32>
        %add3A_171 = arith.addf %add3A_158, %mul3A_170 : vector<16xf32>
        %mul3A_172 = arith.mulf %gather3A_167, %gather3A_167 : vector<16xf32>
        %add3A_173 = arith.addf %add3A_160, %mul3A_172 : vector<16xf32>
        %mul3A_174 = arith.constant 16 : i32
        %mul3A_175 = arith.muli %scan3A_145, %mul3A_174 : i32
        %add3A_176 = arith.constant 2 : i32
        %add3A_177 = arith.addi %mul3A_175, %add3A_176 : i32
        %broadcast_in_dim3A_178 = vector.broadcast %add3A_177 : i32 to vector<16xi32>
        %gather3A_179 = tpu.vector_load_idx %arg11[%add3A_65, %broadcast_in_dim3A_178] : memref<128x128xf32, #tpu.memory_space<vmem>>[vector<16xi32>, vector<16xi32>], vector<16xf32>,
        %gather3A_180 = tpu.vector_load_idx %arg12[%add3A_65, %broadcast_in_dim3A_178] : memref<128x128xf32, #tpu.memory_space<vmem>>[vector<16xi32>, vector<16xi32>], vector<16xf32>,
        %mul3A_181 = arith.mulf %gather3A_179, %gather3A_180 : vector<16xf32>
        %add3A_182 = arith.addf %add3A_169, %mul3A_181 : vector<16xf32>
        %mul3A_183 = arith.mulf %gather3A_179, %gather3A_179 : vector<16xf32>
        %add3A_184 = arith.addf %add3A_171, %mul3A_183 : vector<16xf32>
        %mul3A_185 = arith.mulf %gather3A_180, %gather3A_180 : vector<16xf32>
        %add3A_186 = arith.addf %add3A_173, %mul3A_185 : vector<16xf32>
        %mul3A_187 = arith.constant 16 : i32
        %mul3A_188 = arith.muli %scan3A_145, %mul3A_187 : i32
        %add3A_189 = arith.constant 3 : i32
        %add3A_190 = arith.addi %mul3A_188, %add3A_189 : i32
        %broadcast_in_dim3A_191 = vector.broadcast %add3A_190 : i32 to vector<16xi32>
        %gather3A_192 = tpu.vector_load_idx %arg11[%add3A_65, %broadcast_in_dim3A_191] : memref<128x128xf32, #tpu.memory_space<vmem>>[vector<16xi32>, vector<16xi32>], vector<16xf32>,
        %gather3A_193 = tpu.vector_load_idx %arg12[%add3A_65, %broadcast_in_dim3A_191] : memref<128x128xf32, #tpu.memory_space<vmem>>[vector<16xi32>, vector<16xi32>], vector<16xf32>,
        %mul3A_194 = arith.mulf %gather3A_192, %gather3A_193 : vector<16xf32>
        %add3A_195 = arith.addf %add3A_182, %mul3A_194 : vector<16xf32>
        %mul3A_196 = arith.mulf %gather3A_192, %gather3A_192 : vector<16xf32>
        %add3A_197 = arith.addf %add3A_184, %mul3A_196 : vector<16xf32>
        %mul3A_198 = arith.mulf %gather3A_193, %gather3A_193 : vector<16xf32>
        %add3A_199 = arith.addf %add3A_186, %mul3A_198 : vector<16xf32>
        %mul3A_200 = arith.constant 16 : i32
        %mul3A_201 = arith.muli %scan3A_145, %mul3A_200 : i32
        %add3A_202 = arith.constant 4 : i32
        %add3A_203 = arith.addi %mul3A_201, %add3A_202 : i32
        %broadcast_in_dim3A_204 = vector.broadcast %add3A_203 : i32 to vector<16xi32>
        %gather3A_205 = tpu.vector_load_idx %arg11[%add3A_65, %broadcast_in_dim3A_204] : memref<128x128xf32, #tpu.memory_space<vmem>>[vector<16xi32>, vector<16xi32>], vector<16xf32>,
        %gather3A_206 = tpu.vector_load_idx %arg12[%add3A_65, %broadcast_in_dim3A_204] : memref<128x128xf32, #tpu.memory_space<vmem>>[vector<16xi32>, vector<16xi32>], vector<16xf32>,
        %mul3A_207 = arith.mulf %gather3A_205, %gather3A_206 : vector<16xf32>
        %add3A_208 = arith.addf %add3A_195, %mul3A_207 : vector<16xf32>
        %mul3A_209 = arith.mulf %gather3A_205, %gather3A_205 : vector<16xf32>
        %add3A_210 = arith.addf %add3A_197, %mul3A_209 : vector<16xf32>
        %mul3A_211 = arith.mulf %gather3A_206, %gather3A_206 : vector<16xf32>
        %add3A_212 = arith.addf %add3A_199, %mul3A_211 : vector<16xf32>
        %mul3A_213 = arith.constant 16 : i32
        %mul3A_214 = arith.muli %scan3A_145, %mul3A_213 : i32
        %add3A_215 = arith.constant 5 : i32
        %add3A_216 = arith.addi %mul3A_214, %add3A_215 : i32
        %broadcast_in_dim3A_217 = vector.broadcast %add3A_216 : i32 to vector<16xi32>
        %gather3A_218 = tpu.vector_load_idx %arg11[%add3A_65, %broadcast_in_dim3A_217] : memref<128x128xf32, #tpu.memory_space<vmem>>[vector<16xi32>, vector<16xi32>], vector<16xf32>,
        %gather3A_219 = tpu.vector_load_idx %arg12[%add3A_65, %broadcast_in_dim3A_217] : memref<128x128xf32, #tpu.memory_space<vmem>>[vector<16xi32>, vector<16xi32>], vector<16xf32>,
        %mul3A_220 = arith.mulf %gather3A_218, %gather3A_219 : vector<16xf32>
        %add3A_221 = arith.addf %add3A_208, %mul3A_220 : vector<16xf32>
        %mul3A_222 = arith.mulf %gather3A_218, %gather3A_218 : vector<16xf32>
        %add3A_223 = arith.addf %add3A_210, %mul3A_222 : vector<16xf32>
        %mul3A_224 = arith.mulf %gather3A_219, %gather3A_219 : vector<16xf32>
        %add3A_225 = arith.addf %add3A_212, %mul3A_224 : vector<16xf32>
        %mul3A_226 = arith.constant 16 : i32
        %mul3A_227 = arith.muli %scan3A_145, %mul3A_226 : i32
        %add3A_228 = arith.constant 6 : i32
        %add3A_229 = arith.addi %mul3A_227, %add3A_228 : i32
        %broadcast_in_dim3A_230 = vector.broadcast %add3A_229 : i32 to vector<16xi32>
        %gather3A_231 = tpu.vector_load_idx %arg11[%add3A_65, %broadcast_in_dim3A_230] : memref<128x128xf32, #tpu.memory_space<vmem>>[vector<16xi32>, vector<16xi32>], vector<16xf32>,
        %gather3A_232 = tpu.vector_load_idx %arg12[%add3A_65, %broadcast_in_dim3A_230] : memref<128x128xf32, #tpu.memory_space<vmem>>[vector<16xi32>, vector<16xi32>], vector<16xf32>,
        %mul3A_233 = arith.mulf %gather3A_231, %gather3A_232 : vector<16xf32>
        %add3A_234 = arith.addf %add3A_221, %mul3A_233 : vector<16xf32>
        %mul3A_235 = arith.mulf %gather3A_231, %gather3A_231 : vector<16xf32>
        %add3A_236 = arith.addf %add3A_223, %mul3A_235 : vector<16xf32>
        %mul3A_237 = arith.mulf %gather3A_232, %gather3A_232 : vector<16xf32>
        %add3A_238 = arith.addf %add3A_225, %mul3A_237 : vector<16xf32>
        %mul3A_239 = arith.constant 16 : i32
        %mul3A_240 = arith.muli %scan3A_145, %mul3A_239 : i32
        %add3A_241 = arith.constant 7 : i32
        %add3A_242 = arith.addi %mul3A_240, %add3A_241 : i32
        %broadcast_in_dim3A_243 = vector.broadcast %add3A_242 : i32 to vector<16xi32>
        %gather3A_244 = tpu.vector_load_idx %arg11[%add3A_65, %broadcast_in_dim3A_243] : memref<128x128xf32, #tpu.memory_space<vmem>>[vector<16xi32>, vector<16xi32>], vector<16xf32>,
        %gather3A_245 = tpu.vector_load_idx %arg12[%add3A_65, %broadcast_in_dim3A_243] : memref<128x128xf32, #tpu.memory_space<vmem>>[vector<16xi32>, vector<16xi32>], vector<16xf32>,
        %mul3A_246 = arith.mulf %gather3A_244, %gather3A_245 : vector<16xf32>
        %add3A_247 = arith.addf %add3A_234, %mul3A_246 : vector<16xf32>
        %mul3A_248 = arith.mulf %gather3A_244, %gather3A_244 : vector<16xf32>
        %add3A_249 = arith.addf %add3A_236, %mul3A_248 : vector<16xf32>
        %mul3A_250 = arith.mulf %gather3A_245, %gather3A_245 : vector<16xf32>
        %add3A_251 = arith.addf %add3A_238, %mul3A_250 : vector<16xf32>
        %mul3A_252 = arith.constant 16 : i32
        %mul3A_253 = arith.muli %scan3A_145, %mul3A_252 : i32
        %add3A_254 = arith.constant 8 : i32
        %add3A_255 = arith.addi %mul3A_253, %add3A_254 : i32
        %broadcast_in_dim3A_256 = vector.broadcast %add3A_255 : i32 to vector<16xi32>
        %gather3A_257 = tpu.vector_load_idx %arg11[%add3A_65, %broadcast_in_dim3A_256] : memref<128x128xf32, #tpu.memory_space<vmem>>[vector<16xi32>, vector<16xi32>], vector<16xf32>,
        %gather3A_258 = tpu.vector_load_idx %arg12[%add3A_65, %broadcast_in_dim3A_256] : memref<128x128xf32, #tpu.memory_space<vmem>>[vector<16xi32>, vector<16xi32>], vector<16xf32>,
        %mul3A_259 = arith.mulf %gather3A_257, %gather3A_258 : vector<16xf32>
        %add3A_260 = arith.addf %add3A_247, %mul3A_259 : vector<16xf32>
        %mul3A_261 = arith.mulf %gather3A_257, %gather3A_257 : vector<16xf32>
        %add3A_262 = arith.addf %add3A_249, %mul3A_261 : vector<16xf32>
        %mul3A_263 = arith.mulf %gather3A_258, %gather3A_258 : vector<16xf32>
        %add3A_264 = arith.addf %add3A_251, %mul3A_263 : vector<16xf32>
        %mul3A_265 = arith.constant 16 : i32
        %mul3A_266 = arith.muli %scan3A_145, %mul3A_265 : i32
        %add3A_267 = arith.constant 9 : i32
        %add3A_268 = arith.addi %mul3A_266, %add3A_267 : i32
        %broadcast_in_dim3A_269 = vector.broadcast %add3A_268 : i32 to vector<16xi32>
        %gather3A_270 = tpu.vector_load_idx %arg11[%add3A_65, %broadcast_in_dim3A_269] : memref<128x128xf32, #tpu.memory_space<vmem>>[vector<16xi32>, vector<16xi32>], vector<16xf32>,
        %gather3A_271 = tpu.vector_load_idx %arg12[%add3A_65, %broadcast_in_dim3A_269] : memref<128x128xf32, #tpu.memory_space<vmem>>[vector<16xi32>, vector<16xi32>], vector<16xf32>,
        %mul3A_272 = arith.mulf %gather3A_270, %gather3A_271 : vector<16xf32>
        %add3A_273 = arith.addf %add3A_260, %mul3A_272 : vector<16xf32>
        %mul3A_274 = arith.mulf %gather3A_270, %gather3A_270 : vector<16xf32>
        %add3A_275 = arith.addf %add3A_262, %mul3A_274 : vector<16xf32>
        %mul3A_276 = arith.mulf %gather3A_271, %gather3A_271 : vector<16xf32>
        %add3A_277 = arith.addf %add3A_264, %mul3A_276 : vector<16xf32>
        %mul3A_278 = arith.constant 16 : i32
        %mul3A_279 = arith.muli %scan3A_145, %mul3A_278 : i32
        %add3A_280 = arith.constant 10 : i32
        %add3A_281 = arith.addi %mul3A_279, %add3A_280 : i32
        %broadcast_in_dim3A_282 = vector.broadcast %add3A_281 : i32 to vector<16xi32>
        %gather3A_283 = tpu.vector_load_idx %arg11[%add3A_65, %broadcast_in_dim3A_282] : memref<128x128xf32, #tpu.memory_space<vmem>>[vector<16xi32>, vector<16xi32>], vector<16xf32>,
        %gather3A_284 = tpu.vector_load_idx %arg12[%add3A_65, %broadcast_in_dim3A_282] : memref<128x128xf32, #tpu.memory_space<vmem>>[vector<16xi32>, vector<16xi32>], vector<16xf32>,
        %mul3A_285 = arith.mulf %gather3A_283, %gather3A_284 : vector<16xf32>
        %add3A_286 = arith.addf %add3A_273, %mul3A_285 : vector<16xf32>
        %mul3A_287 = arith.mulf %gather3A_283, %gather3A_283 : vector<16xf32>
        %add3A_288 = arith.addf %add3A_275, %mul3A_287 : vector<16xf32>
        %mul3A_289 = arith.mulf %gather3A_284, %gather3A_284 : vector<16xf32>
        %add3A_290 = arith.addf %add3A_277, %mul3A_289 : vector<16xf32>
        %mul3A_291 = arith.constant 16 : i32
        %mul3A_292 = arith.muli %scan3A_145, %mul3A_291 : i32
        %add3A_293 = arith.constant 11 : i32
        %add3A_294 = arith.addi %mul3A_292, %add3A_293 : i32
        %broadcast_in_dim3A_295 = vector.broadcast %add3A_294 : i32 to vector<16xi32>
        %gather3A_296 = tpu.vector_load_idx %arg11[%add3A_65, %broadcast_in_dim3A_295] : memref<128x128xf32, #tpu.memory_space<vmem>>[vector<16xi32>, vector<16xi32>], vector<16xf32>,
        %gather3A_297 = tpu.vector_load_idx %arg12[%add3A_65, %broadcast_in_dim3A_295] : memref<128x128xf32, #tpu.memory_space<vmem>>[vector<16xi32>, vector<16xi32>], vector<16xf32>,
        %mul3A_298 = arith.mulf %gather3A_296, %gather3A_297 : vector<16xf32>
        %add3A_299 = arith.addf %add3A_286, %mul3A_298 : vector<16xf32>
        %mul3A_300 = arith.mulf %gather3A_296, %gather3A_296 : vector<16xf32>
        %add3A_301 = arith.addf %add3A_288, %mul3A_300 : vector<16xf32>
        %mul3A_302 = arith.mulf %gather3A_297, %gather3A_297 : vector<16xf32>
        %add3A_303 = arith.addf %add3A_290, %mul3A_302 : vector<16xf32>
        %mul3A_304 = arith.constant 16 : i32
        %mul3A_305 = arith.muli %scan3A_145, %mul3A_304 : i32
        %add3A_306 = arith.constant 12 : i32
        %add3A_307 = arith.addi %mul3A_305, %add3A_306 : i32
        %broadcast_in_dim3A_308 = vector.broadcast %add3A_307 : i32 to vector<16xi32>
        %gather3A_309 = tpu.vector_load_idx %arg11[%add3A_65, %broadcast_in_dim3A_308] : memref<128x128xf32, #tpu.memory_space<vmem>>[vector<16xi32>, vector<16xi32>], vector<16xf32>,
        %gather3A_310 = tpu.vector_load_idx %arg12[%add3A_65, %broadcast_in_dim3A_308] : memref<128x128xf32, #tpu.memory_space<vmem>>[vector<16xi32>, vector<16xi32>], vector<16xf32>,
        %mul3A_311 = arith.mulf %gather3A_309, %gather3A_310 : vector<16xf32>
        %add3A_312 = arith.addf %add3A_299, %mul3A_311 : vector<16xf32>
        %mul3A_313 = arith.mulf %gather3A_309, %gather3A_309 : vector<16xf32>
        %add3A_314 = arith.addf %add3A_301, %mul3A_313 : vector<16xf32>
        %mul3A_315 = arith.mulf %gather3A_310, %gather3A_310 : vector<16xf32>
        %add3A_316 = arith.addf %add3A_303, %mul3A_315 : vector<16xf32>
        %mul3A_317 = arith.constant 16 : i32
        %mul3A_318 = arith.muli %scan3A_145, %mul3A_317 : i32
        %add3A_319 = arith.constant 13 : i32
        %add3A_320 = arith.addi %mul3A_318, %add3A_319 : i32
        %broadcast_in_dim3A_321 = vector.broadcast %add3A_320 : i32 to vector<16xi32>
        %gather3A_322 = tpu.vector_load_idx %arg11[%add3A_65, %broadcast_in_dim3A_321] : memref<128x128xf32, #tpu.memory_space<vmem>>[vector<16xi32>, vector<16xi32>], vector<16xf32>,
        %gather3A_323 = tpu.vector_load_idx %arg12[%add3A_65, %broadcast_in_dim3A_321] : memref<128x128xf32, #tpu.memory_space<vmem>>[vector<16xi32>, vector<16xi32>], vector<16xf32>,
        %mul3A_324 = arith.mulf %gather3A_322, %gather3A_323 : vector<16xf32>
        %add3A_325 = arith.addf %add3A_312, %mul3A_324 : vector<16xf32>
        %mul3A_326 = arith.mulf %gather3A_322, %gather3A_322 : vector<16xf32>
        %add3A_327 = arith.addf %add3A_314, %mul3A_326 : vector<16xf32>
        %mul3A_328 = arith.mulf %gather3A_323, %gather3A_323 : vector<16xf32>
        %add3A_329 = arith.addf %add3A_316, %mul3A_328 : vector<16xf32>
        %mul3A_330 = arith.constant 16 : i32
        %mul3A_331 = arith.muli %scan3A_145, %mul3A_330 : i32
        %add3A_332 = arith.constant 14 : i32
        %add3A_333 = arith.addi %mul3A_331, %add3A_332 : i32
        %broadcast_in_dim3A_334 = vector.broadcast %add3A_333 : i32 to vector<16xi32>
        %gather3A_335 = tpu.vector_load_idx %arg11[%add3A_65, %broadcast_in_dim3A_334] : memref<128x128xf32, #tpu.memory_space<vmem>>[vector<16xi32>, vector<16xi32>], vector<16xf32>,
        %gather3A_336 = tpu.vector_load_idx %arg12[%add3A_65, %broadcast_in_dim3A_334] : memref<128x128xf32, #tpu.memory_space<vmem>>[vector<16xi32>, vector<16xi32>], vector<16xf32>,
        %mul3A_337 = arith.mulf %gather3A_335, %gather3A_336 : vector<16xf32>
        %add3A_338 = arith.addf %add3A_325, %mul3A_337 : vector<16xf32>
        %mul3A_339 = arith.mulf %gather3A_335, %gather3A_335 : vector<16xf32>
        %add3A_340 = arith.addf %add3A_327, %mul3A_339 : vector<16xf32>
        %mul3A_341 = arith.mulf %gather3A_336, %gather3A_336 : vector<16xf32>
        %add3A_342 = arith.addf %add3A_329, %mul3A_341 : vector<16xf32>
        %mul3A_343 = arith.constant 16 : i32
        %mul3A_344 = arith.muli %scan3A_145, %mul3A_343 : i32
        %add3A_345 = arith.constant 15 : i32
        %add3A_346 = arith.addi %mul3A_344, %add3A_345 : i32
        %broadcast_in_dim3A_347 = vector.broadcast %add3A_346 : i32 to vector<16xi32>
        %gather3A_348 = tpu.vector_load_idx %arg11[%add3A_65, %broadcast_in_dim3A_347] : memref<128x128xf32, #tpu.memory_space<vmem>>[vector<16xi32>, vector<16xi32>], vector<16xf32>,
        %gather3A_349 = tpu.vector_load_idx %arg12[%add3A_65, %broadcast_in_dim3A_347] : memref<128x128xf32, #tpu.memory_space<vmem>>[vector<16xi32>, vector<16xi32>], vector<16xf32>,
        %mul3A_350 = arith.mulf %gather3A_348, %gather3A_349 : vector<16xf32>
        %add3A_351 = arith.addf %add3A_338, %mul3A_350 : vector<16xf32>
        %mul3A_352 = arith.mulf %gather3A_348, %gather3A_348 : vector<16xf32>
        %add3A_353 = arith.addf %add3A_340, %mul3A_352 : vector<16xf32>
        %mul3A_354 = arith.mulf %gather3A_349, %gather3A_349 : vector<16xf32>
        %add3A_355 = arith.addf %add3A_342, %mul3A_354 : vector<16xf32>
        scf.yield %add3A_351, %add3A_353, %add3A_355 : vector<16xf32>, vector<16xf32>, vector<16xf32>
      }
      %scan3A_71 = arith.constant 8 : i32
      %mul3A_72 = arith.constant 16 : i32
      %mul3A_73 = arith.muli %scan3A_61, %mul3A_72 : i32
      %swap3A_74 = arith.index_cast %mul3A_73 : i32 to index
      %swap3A_75 = tpu.vector_load %arg14[%swap3A_74] {strides = array<i32>} : memref<144xf32, #tpu.memory_space<vmem>>, vector<16xf32>,
      tpu.vector_store %arg14[%swap3A_74], %scan3A_70#1 {strides = array<i32>} : memref<144xf32, #tpu.memory_space<vmem>>, vector<16xf32>,
      %add3A_76 = arith.addf %scan3A_70#1, %scan3A_70#2 : vector<16xf32>
      %mul3A_77 = arith.constant 2.000000e+00 : f32
      %mul3A_78 = vector.broadcast %mul3A_77 : f32 to vector<16xf32>
      %mul3A_79 = arith.mulf %mul3A_78, %scan3A_70#0 : vector<16xf32>
      %sub3A = arith.subf %add3A_76, %mul3A_79 : vector<16xf32>
      %mul3A_80 = arith.constant 2.000000e+00 : f32
      %mul3A_81 = vector.broadcast %mul3A_80 : f32 to vector<16xf32>
      %mul3A_82 = arith.mulf %mul3A_81, %sub3A : vector<16xf32>
      %sub3A_83 = arith.constant 1.000000e+00 : f32
      %sub3A_84 = vector.broadcast %sub3A_83 : f32 to vector<16xf32>
      %sub3A_85 = arith.subf %sub3A_84, %scan3A_70#1 : vector<16xf32>
      %sub3A_86 = arith.constant 1.000000e+00 : f32
      %sub3A_87 = vector.broadcast %sub3A_86 : f32 to vector<16xf32>
      %sub3A_88 = arith.subf %sub3A_87, %scan3A_70#2 : vector<16xf32>
      %mul3A_89 = arith.mulf %sub3A_85, %sub3A_88 : vector<16xf32>
      %add3A_90 = arith.constant 9.99999974E-6 : f32
      %add3A_91 = vector.broadcast %add3A_90 : f32 to vector<16xf32>
      %add3A_92 = arith.addf %mul3A_89, %add3A_91 : vector<16xf32>
      %div3A = arith.divf %mul3A_82, %add3A_92 : vector<16xf32>
      %add3A_93 = arith.constant 1.000000e+00 : f32
      %add3A_94 = vector.broadcast %add3A_93 : f32 to vector<16xf32>
      %add3A_95 = arith.addf %add3A_94, %div3A : vector<16xf32>
      %max3A = arith.constant 1.000010e+00 : f32
      %max3A_96 = vector.broadcast %max3A : f32 to vector<16xf32>
      %max3A_97 = arith.maximumf %add3A_95, %max3A_96 : vector<16xf32>
      %sub3A_98 = arith.constant 1.000000e+00 : f32
      %sub3A_99 = vector.broadcast %sub3A_98 : f32 to vector<16xf32>
      %sub3A_100 = arith.subf %max3A_97, %sub3A_99 : vector<16xf32>
      %add3A_101 = arith.constant 1.000000e+00 : f32
      %add3A_102 = vector.broadcast %add3A_101 : f32 to vector<16xf32>
      %add3A_103 = arith.addf %max3A_97, %add3A_102 : vector<16xf32>
      %mul3A_104 = arith.mulf %sub3A_100, %add3A_103 : vector<16xf32>
      %bitcast_convert_type3A = tpu.bitcast %mul3A_104 : vector<16xf32> -> vector<16xi32>
      %shift_right_logical3A = arith.constant 1 : i32
      %shift_right_logical3A_105 = vector.broadcast %shift_right_logical3A : i32 to vector<16xi32>
      %shift_right_logical3A_106 = arith.shrui %bitcast_convert_type3A, %shift_right_logical3A_105 : vector<16xi32>
      %sub3A_107 = arith.constant 1597463007 : i32
      %sub3A_108 = vector.broadcast %sub3A_107 : i32 to vector<16xi32>
      %sub3A_109 = arith.subi %sub3A_108, %shift_right_logical3A_106 : vector<16xi32>
      %bitcast_convert_type3A_110 = tpu.bitcast %sub3A_109 : vector<16xi32> -> vector<16xf32>
      %mul3A_111 = arith.constant 5.000000e-01 : f32
      %mul3A_112 = vector.broadcast %mul3A_111 : f32 to vector<16xf32>
      %mul3A_113 = arith.mulf %mul3A_112, %mul3A_104 : vector<16xf32>
      %mul3A_114 = arith.mulf %mul3A_113, %bitcast_convert_type3A_110 : vector<16xf32>
      %mul3A_115 = arith.mulf %mul3A_114, %bitcast_convert_type3A_110 : vector<16xf32>
      %sub3A_116 = arith.constant 1.500000e+00 : f32
      %sub3A_117 = vector.broadcast %sub3A_116 : f32 to vector<16xf32>
      %sub3A_118 = arith.subf %sub3A_117, %mul3A_115 : vector<16xf32>
      %mul3A_119 = arith.mulf %bitcast_convert_type3A_110, %sub3A_118 : vector<16xf32>
      %mul3A_120 = arith.constant 5.000000e-01 : f32
      %mul3A_121 = vector.broadcast %mul3A_120 : f32 to vector<16xf32>
      %mul3A_122 = arith.mulf %mul3A_121, %mul3A_104 : vector<16xf32>
      %mul3A_123 = arith.mulf %mul3A_122, %mul3A_119 : vector<16xf32>
      %mul3A_124 = arith.mulf %mul3A_123, %mul3A_119 : vector<16xf32>
      %sub3A_125 = arith.constant 1.500000e+00 : f32
      %sub3A_126 = vector.broadcast %sub3A_125 : f32 to vector<16xf32>
      %sub3A_127 = arith.subf %sub3A_126, %mul3A_124 : vector<16xf32>
      %mul3A_128 = arith.mulf %mul3A_119, %sub3A_127 : vector<16xf32>
      %mul3A_129 = arith.constant 5.000000e-01 : f32
      %mul3A_130 = vector.broadcast %mul3A_129 : f32 to vector<16xf32>
      %mul3A_131 = arith.mulf %mul3A_130, %mul3A_104 : vector<16xf32>
      %mul3A_132 = arith.mulf %mul3A_131, %mul3A_128 : vector<16xf32>
      %mul3A_133 = arith.mulf %mul3A_132, %mul3A_128 : vector<16xf32>
      %sub3A_134 = arith.constant 1.500000e+00 : f32
      %sub3A_135 = vector.broadcast %sub3A_134 : f32 to vector<16xf32>
      %sub3A_136 = arith.subf %sub3A_135, %mul3A_133 : vector<16xf32>
      %mul3A_137 = arith.mulf %mul3A_128, %sub3A_136 : vector<16xf32>
      %mul3A_138 = arith.mulf %mul3A_104, %mul3A_137 : vector<16xf32>
      %add3A_139 = arith.addf %max3A_97, %mul3A_138 : vector<16xf32>
      %div3A_140 = arith.constant 1.000000e+00 : f32
      %div3A_141 = vector.broadcast %div3A_140 : f32 to vector<16xf32>
      %div3A_142 = arith.divf %div3A_141, %add3A_139 : vector<16xf32>
      %swap3A_143 = arith.index_cast %mul3A_73 : i32 to index
      %swap3A_144 = tpu.vector_load %arg15[%swap3A_143] {strides = array<i32>} : memref<128xf32, #tpu.memory_space<vmem>>, vector<16xf32>,
      tpu.vector_store %arg15[%swap3A_143], %div3A_142 {strides = array<i32>} : memref<128xf32, #tpu.memory_space<vmem>>, vector<16xf32>,
    }
    %scan3A_30 = arith.constant 8 : i32
    "tpu.region"() ({
      %run_scoped3A = tpu.sem_alloc : memref<!tpu.dma_semaphore, #tpu.memory_space<semaphore_mem>>
      %dma_start3A_61 = arith.constant 0 : i32
      %dma_start3A_62 = tpu.memref_slice %arg6[%add3A, %dma_start3A_61] : memref<32x128xf32, #tpu.memory_space<hbm>> -> memref<1x128xf32, #tpu.memory_space<hbm>>
      %dma_start3A_63 = tpu.memref_squeeze %dma_start3A_62 : memref<1x128xf32, #tpu.memory_space<hbm>> -> memref<128xf32, #tpu.memory_space<hbm>>
      %dma_start3A_64 = arith.constant 0 : i32
      %dma_start3A_65 = tpu.memref_slice %arg6[%add3A, %dma_start3A_64] : memref<32x128xf32, #tpu.memory_space<hbm>> -> memref<1x128xf32, #tpu.memory_space<hbm>>
      %dma_start3A_66 = tpu.memref_squeeze %dma_start3A_65 : memref<1x128xf32, #tpu.memory_space<hbm>> -> memref<128xf32, #tpu.memory_space<hbm>>
      tpu.enqueue_dma source(%arg15 : memref<128xf32, #tpu.memory_space<vmem>>) target(%dma_start3A_66 : memref<128xf32, #tpu.memory_space<hbm>>) target_semaphore(%run_scoped3A : memref<!tpu.dma_semaphore, #tpu.memory_space<semaphore_mem>>)
      %dma_wait3A_67 = arith.constant 0 : i32
      %dma_wait3A_68 = tpu.memref_slice %arg6[%add3A, %dma_wait3A_67] : memref<32x128xf32, #tpu.memory_space<hbm>> -> memref<1x128xf32, #tpu.memory_space<hbm>>
      %dma_wait3A_69 = tpu.memref_squeeze %dma_wait3A_68 : memref<1x128xf32, #tpu.memory_space<hbm>> -> memref<128xf32, #tpu.memory_space<hbm>>
      %dma_wait3A_70 = arith.constant 0 : i32
      %dma_wait3A_71 = tpu.memref_slice %arg6[%add3A, %dma_wait3A_70] : memref<32x128xf32, #tpu.memory_space<hbm>> -> memref<1x128xf32, #tpu.memory_space<hbm>>
      %dma_wait3A_72 = tpu.memref_squeeze %dma_wait3A_71 : memref<1x128xf32, #tpu.memory_space<hbm>> -> memref<128xf32, #tpu.memory_space<hbm>>
      tpu.wait_dma2 semaphore(%run_scoped3A : memref<!tpu.dma_semaphore, #tpu.memory_space<semaphore_mem>>) src(%arg15 : memref<128xf32, #tpu.memory_space<vmem>>) dst(%dma_wait3A_72 : memref<128xf32, #tpu.memory_space<hbm>>)
      tpu.yield
    }) : () -> ()
    %scan3A_31 = arith.constant 0 : i32
    %scan3A_32 = arith.constant 0 : i32
    %scan3A_33 = arith.constant 256 : i32
    %scan3A_34 = arith.addi %scan3A_32, %scan3A_33 : i32
    %scan3A_35 = arith.constant 1 : i32
    scf.for %scan3A_61 = %scan3A_32 to %scan3A_34 step %scan3A_35  : i32 {
      %shift_right_logical3A = arith.constant 1 : i32
      %shift_right_logical3A_62 = arith.shrui %scan3A_61, %shift_right_logical3A : i32
      %and3A = arith.constant 1 : i32
      %and3A_63 = arith.andi %scan3A_61, %and3A : i32
      %dma_wait3A_64 = arith.constant 0 : i32
      %dma_wait3A_65 = arith.constant 0 : i32
      %dma_wait3A_66 = tpu.memref_slice %arg13[%and3A_63, %dma_wait3A_64, %dma_wait3A_65] : memref<2x112x128xf32, #tpu.memory_space<vmem>> -> memref<1x104x128xf32, #tpu.memory_space<vmem>>
      %dma_wait3A_67 = tpu.memref_squeeze %dma_wait3A_66 : memref<1x104x128xf32, #tpu.memory_space<vmem>> -> memref<104x128xf32, #tpu.memory_space<vmem>>
      %dma_wait3A_68 = arith.constant 0 : i32
      %dma_wait3A_69 = tpu.memref_slice %arg10[%shift_right_logical3A_62, %and3A_63, %dma_wait3A_68] : memref<128x2x104xi32, #tpu.memory_space<vmem>> -> memref<1x1x104xi32, #tpu.memory_space<vmem>>
      %dma_wait3A_70 = tpu.memref_squeeze %dma_wait3A_69 : memref<1x1x104xi32, #tpu.memory_space<vmem>> -> memref<104xi32, #tpu.memory_space<vmem>>
      %dma_wait3A_71 = arith.constant 0 : i32
      %dma_wait3A_72 = arith.constant 0 : i32
      %dma_wait3A_73 = tpu.memref_slice %arg2[%dma_wait3A_71, %dma_wait3A_72] : memref<100000x128xf32, #tpu.memory_space<hbm>> -> memref<100000x128xf32, #tpu.memory_space<hbm>>
      tpu.wait_indirect_dma semaphore(%arg18 : memref<!tpu.dma_semaphore, #tpu.memory_space<semaphore_mem>>) src(%dma_wait3A_73 : memref<100000x128xf32, #tpu.memory_space<hbm>>) dst(%dma_wait3A_67 : memref<104x128xf32, #tpu.memory_space<vmem>>)
      %add3A_74 = arith.constant 1 : i32
      %add3A_75 = arith.addi %scan3A_61, %add3A_74 : i32
      %lt3A = arith.constant 256 : i32
      %lt3A_76 = arith.cmpi slt, %add3A_75, %lt3A : i32
      %convert_element_type3A = arith.extui %lt3A_76 : i1 to i32
      %cond3A = arith.constant 0 : i32
      %cond3A_77 = arith.cmpi ne, %convert_element_type3A, %cond3A : i32
      scf.if %cond3A_77 {
        %add3A_87 = arith.constant 1 : i32
        %add3A_88 = arith.addi %scan3A_61, %add3A_87 : i32
        %shift_right_logical3A_89 = arith.constant 1 : i32
        %shift_right_logical3A_90 = arith.shrui %add3A_88, %shift_right_logical3A_89 : i32
        %and3A_91 = arith.constant 1 : i32
        %and3A_92 = arith.andi %add3A_88, %and3A_91 : i32
        %dma_start3A_93 = arith.constant 0 : i32
        %dma_start3A_94 = arith.constant 0 : i32
        %dma_start3A_95 = tpu.memref_slice %arg13[%and3A_92, %dma_start3A_93, %dma_start3A_94] : memref<2x112x128xf32, #tpu.memory_space<vmem>> -> memref<1x104x128xf32, #tpu.memory_space<vmem>>
        %dma_start3A_96 = tpu.memref_squeeze %dma_start3A_95 : memref<1x104x128xf32, #tpu.memory_space<vmem>> -> memref<104x128xf32, #tpu.memory_space<vmem>>
        %dma_start3A_97 = arith.constant 0 : i32
        %dma_start3A_98 = tpu.memref_slice %arg10[%shift_right_logical3A_90, %and3A_92, %dma_start3A_97] : memref<128x2x104xi32, #tpu.memory_space<vmem>> -> memref<1x1x104xi32, #tpu.memory_space<vmem>>
        %dma_start3A_99 = tpu.memref_squeeze %dma_start3A_98 : memref<1x1x104xi32, #tpu.memory_space<vmem>> -> memref<104xi32, #tpu.memory_space<vmem>>
        %dma_start3A_100 = arith.constant 0 : i32
        %dma_start3A_101 = arith.constant 0 : i32
        %dma_start3A_102 = tpu.memref_slice %arg2[%dma_start3A_100, %dma_start3A_101] : memref<100000x128xf32, #tpu.memory_space<hbm>> -> memref<100000x128xf32, #tpu.memory_space<hbm>>
        tpu.enqueue_indirect_dma source(%dma_start3A_102 : memref<100000x128xf32, #tpu.memory_space<hbm>>) target(%dma_start3A_96 : memref<104x128xf32, #tpu.memory_space<vmem>>) offsets(%dma_start3A_99 : memref<104xi32, #tpu.memory_space<vmem>>) semaphore(%arg18 : memref<!tpu.dma_semaphore, #tpu.memory_space<semaphore_mem>>)
      } else {
      }
      %get3A_78 = arith.index_cast %shift_right_logical3A_62 : i32 to index
      %get3A_79 = tpu.vector_load %arg14[%get3A_78] {strides = array<i32>} : memref<144xf32, #tpu.memory_space<vmem>>, vector<16xf32>,
      %slice3A = vector.extract_strided_slice %get3A_79 {offsets = [0], sizes = [1], strides = [1]} : vector<16xf32> to vector<1xf32>
      %squeeze3A = vector.extract %slice3A[0] : f32 from vector<1xf32>
      %broadcast_in_dim3A_80 = vector.broadcast %and3A_63 : i32 to vector<16xi32>
      %scan3A_81 = arith.constant 0 : i32
      %scan3A_82 = arith.constant 0 : i32
      %scan3A_83 = arith.constant 7 : i32
      %scan3A_84 = arith.addi %scan3A_82, %scan3A_83 : i32
      %scan3A_85 = arith.constant 1 : i32
      scf.for %scan3A_87 = %scan3A_82 to %scan3A_84 step %scan3A_85  : i32 {
        %mul3A_88 = arith.constant 16 : i32
        %mul3A_89 = arith.muli %scan3A_87, %mul3A_88 : i32
        %add3A_90 = vector.broadcast %mul3A_89 : i32 to vector<16xi32>
        %add3A_91 = arith.addi %add3A_90, %iota3A : vector<16xi32>
        %scan3A_92 = arith.constant 0 : i32
        %scan3A_93 = arith.constant 8 : i32
        %scan3A_94 = arith.addi %scan3A_92, %scan3A_93 : i32
        %scan3A_95 = arith.constant 1 : i32
        %scan3A_96:2 = scf.for %scan3A_182 = %scan3A_92 to %scan3A_94 step %scan3A_95 iter_args(%scan3A_183 = %broadcast_in_dim3A_1, %scan3A_184 = %broadcast_in_dim3A_1) -> (vector<16xf32>, vector<16xf32>)  : i32 {
          %mul3A_185 = arith.constant 16 : i32
          %mul3A_186 = arith.muli %scan3A_182, %mul3A_185 : i32
          %get3A_187 = arith.index_cast %shift_right_logical3A_62 : i32 to index
          %get3A_188 = arith.index_cast %mul3A_186 : i32 to index
          %get3A_189 = tpu.vector_load %arg11[%get3A_187, %get3A_188] {strides = array<i32>} : memref<128x128xf32, #tpu.memory_space<vmem>>, vector<16xf32>,
          %mul3A_190 = arith.constant 16 : i32
          %mul3A_191 = arith.muli %scan3A_182, %mul3A_190 : i32
          %add3A_192 = arith.constant 0 : i32
          %add3A_193 = arith.addi %mul3A_191, %add3A_192 : i32
          %broadcast_in_dim3A_194 = vector.broadcast %add3A_193 : i32 to vector<16xi32>
          %gather3A = tpu.vector_load_idx %arg13[%broadcast_in_dim3A_80, %add3A_91, %broadcast_in_dim3A_194] : memref<2x112x128xf32, #tpu.memory_space<vmem>>[vector<16xi32>, vector<16xi32>, vector<16xi32>], vector<16xf32>,
          %slice3A_195 = vector.extract_strided_slice %get3A_189 {offsets = [0], sizes = [1], strides = [1]} : vector<16xf32> to vector<1xf32>
          %squeeze3A_196 = vector.extract %slice3A_195[0] : f32 from vector<1xf32>
          %mul3A_197 = vector.broadcast %squeeze3A_196 : f32 to vector<16xf32>
          %mul3A_198 = arith.mulf %gather3A, %mul3A_197 : vector<16xf32>
          %add3A_199 = arith.addf %scan3A_183, %mul3A_198 : vector<16xf32>
          %mul3A_200 = arith.mulf %gather3A, %gather3A : vector<16xf32>
          %add3A_201 = arith.addf %scan3A_184, %mul3A_200 : vector<16xf32>
          %mul3A_202 = arith.constant 16 : i32
          %mul3A_203 = arith.muli %scan3A_182, %mul3A_202 : i32
          %add3A_204 = arith.constant 1 : i32
          %add3A_205 = arith.addi %mul3A_203, %add3A_204 : i32
          %broadcast_in_dim3A_206 = vector.broadcast %add3A_205 : i32 to vector<16xi32>
          %gather3A_207 = tpu.vector_load_idx %arg13[%broadcast_in_dim3A_80, %add3A_91, %broadcast_in_dim3A_206] : memref<2x112x128xf32, #tpu.memory_space<vmem>>[vector<16xi32>, vector<16xi32>, vector<16xi32>], vector<16xf32>,
          %slice3A_208 = vector.extract_strided_slice %get3A_189 {offsets = [1], sizes = [1], strides = [1]} : vector<16xf32> to vector<1xf32>
          %squeeze3A_209 = vector.extract %slice3A_208[0] : f32 from vector<1xf32>
          %mul3A_210 = vector.broadcast %squeeze3A_209 : f32 to vector<16xf32>
          %mul3A_211 = arith.mulf %gather3A_207, %mul3A_210 : vector<16xf32>
          %add3A_212 = arith.addf %add3A_199, %mul3A_211 : vector<16xf32>
          %mul3A_213 = arith.mulf %gather3A_207, %gather3A_207 : vector<16xf32>
          %add3A_214 = arith.addf %add3A_201, %mul3A_213 : vector<16xf32>
          %mul3A_215 = arith.constant 16 : i32
          %mul3A_216 = arith.muli %scan3A_182, %mul3A_215 : i32
          %add3A_217 = arith.constant 2 : i32
          %add3A_218 = arith.addi %mul3A_216, %add3A_217 : i32
          %broadcast_in_dim3A_219 = vector.broadcast %add3A_218 : i32 to vector<16xi32>
          %gather3A_220 = tpu.vector_load_idx %arg13[%broadcast_in_dim3A_80, %add3A_91, %broadcast_in_dim3A_219] : memref<2x112x128xf32, #tpu.memory_space<vmem>>[vector<16xi32>, vector<16xi32>, vector<16xi32>], vector<16xf32>,
          %slice3A_221 = vector.extract_strided_slice %get3A_189 {offsets = [2], sizes = [1], strides = [1]} : vector<16xf32> to vector<1xf32>
          %squeeze3A_222 = vector.extract %slice3A_221[0] : f32 from vector<1xf32>
          %mul3A_223 = vector.broadcast %squeeze3A_222 : f32 to vector<16xf32>
          %mul3A_224 = arith.mulf %gather3A_220, %mul3A_223 : vector<16xf32>
          %add3A_225 = arith.addf %add3A_212, %mul3A_224 : vector<16xf32>
          %mul3A_226 = arith.mulf %gather3A_220, %gather3A_220 : vector<16xf32>
          %add3A_227 = arith.addf %add3A_214, %mul3A_226 : vector<16xf32>
          %mul3A_228 = arith.constant 16 : i32
          %mul3A_229 = arith.muli %scan3A_182, %mul3A_228 : i32
          %add3A_230 = arith.constant 3 : i32
          %add3A_231 = arith.addi %mul3A_229, %add3A_230 : i32
          %broadcast_in_dim3A_232 = vector.broadcast %add3A_231 : i32 to vector<16xi32>
          %gather3A_233 = tpu.vector_load_idx %arg13[%broadcast_in_dim3A_80, %add3A_91, %broadcast_in_dim3A_232] : memref<2x112x128xf32, #tpu.memory_space<vmem>>[vector<16xi32>, vector<16xi32>, vector<16xi32>], vector<16xf32>,
          %slice3A_234 = vector.extract_strided_slice %get3A_189 {offsets = [3], sizes = [1], strides = [1]} : vector<16xf32> to vector<1xf32>
          %squeeze3A_235 = vector.extract %slice3A_234[0] : f32 from vector<1xf32>
          %mul3A_236 = vector.broadcast %squeeze3A_235 : f32 to vector<16xf32>
          %mul3A_237 = arith.mulf %gather3A_233, %mul3A_236 : vector<16xf32>
          %add3A_238 = arith.addf %add3A_225, %mul3A_237 : vector<16xf32>
          %mul3A_239 = arith.mulf %gather3A_233, %gather3A_233 : vector<16xf32>
          %add3A_240 = arith.addf %add3A_227, %mul3A_239 : vector<16xf32>
          %mul3A_241 = arith.constant 16 : i32
          %mul3A_242 = arith.muli %scan3A_182, %mul3A_241 : i32
          %add3A_243 = arith.constant 4 : i32
          %add3A_244 = arith.addi %mul3A_242, %add3A_243 : i32
          %broadcast_in_dim3A_245 = vector.broadcast %add3A_244 : i32 to vector<16xi32>
          %gather3A_246 = tpu.vector_load_idx %arg13[%broadcast_in_dim3A_80, %add3A_91, %broadcast_in_dim3A_245] : memref<2x112x128xf32, #tpu.memory_space<vmem>>[vector<16xi32>, vector<16xi32>, vector<16xi32>], vector<16xf32>,
          %slice3A_247 = vector.extract_strided_slice %get3A_189 {offsets = [4], sizes = [1], strides = [1]} : vector<16xf32> to vector<1xf32>
          %squeeze3A_248 = vector.extract %slice3A_247[0] : f32 from vector<1xf32>
          %mul3A_249 = vector.broadcast %squeeze3A_248 : f32 to vector<16xf32>
          %mul3A_250 = arith.mulf %gather3A_246, %mul3A_249 : vector<16xf32>
          %add3A_251 = arith.addf %add3A_238, %mul3A_250 : vector<16xf32>
          %mul3A_252 = arith.mulf %gather3A_246, %gather3A_246 : vector<16xf32>
          %add3A_253 = arith.addf %add3A_240, %mul3A_252 : vector<16xf32>
          %mul3A_254 = arith.constant 16 : i32
          %mul3A_255 = arith.muli %scan3A_182, %mul3A_254 : i32
          %add3A_256 = arith.constant 5 : i32
          %add3A_257 = arith.addi %mul3A_255, %add3A_256 : i32
          %broadcast_in_dim3A_258 = vector.broadcast %add3A_257 : i32 to vector<16xi32>
          %gather3A_259 = tpu.vector_load_idx %arg13[%broadcast_in_dim3A_80, %add3A_91, %broadcast_in_dim3A_258] : memref<2x112x128xf32, #tpu.memory_space<vmem>>[vector<16xi32>, vector<16xi32>, vector<16xi32>], vector<16xf32>,
          %slice3A_260 = vector.extract_strided_slice %get3A_189 {offsets = [5], sizes = [1], strides = [1]} : vector<16xf32> to vector<1xf32>
          %squeeze3A_261 = vector.extract %slice3A_260[0] : f32 from vector<1xf32>
          %mul3A_262 = vector.broadcast %squeeze3A_261 : f32 to vector<16xf32>
          %mul3A_263 = arith.mulf %gather3A_259, %mul3A_262 : vector<16xf32>
          %add3A_264 = arith.addf %add3A_251, %mul3A_263 : vector<16xf32>
          %mul3A_265 = arith.mulf %gather3A_259, %gather3A_259 : vector<16xf32>
          %add3A_266 = arith.addf %add3A_253, %mul3A_265 : vector<16xf32>
          %mul3A_267 = arith.constant 16 : i32
          %mul3A_268 = arith.muli %scan3A_182, %mul3A_267 : i32
          %add3A_269 = arith.constant 6 : i32
          %add3A_270 = arith.addi %mul3A_268, %add3A_269 : i32
          %broadcast_in_dim3A_271 = vector.broadcast %add3A_270 : i32 to vector<16xi32>
          %gather3A_272 = tpu.vector_load_idx %arg13[%broadcast_in_dim3A_80, %add3A_91, %broadcast_in_dim3A_271] : memref<2x112x128xf32, #tpu.memory_space<vmem>>[vector<16xi32>, vector<16xi32>, vector<16xi32>], vector<16xf32>,
          %slice3A_273 = vector.extract_strided_slice %get3A_189 {offsets = [6], sizes = [1], strides = [1]} : vector<16xf32> to vector<1xf32>
          %squeeze3A_274 = vector.extract %slice3A_273[0] : f32 from vector<1xf32>
          %mul3A_275 = vector.broadcast %squeeze3A_274 : f32 to vector<16xf32>
          %mul3A_276 = arith.mulf %gather3A_272, %mul3A_275 : vector<16xf32>
          %add3A_277 = arith.addf %add3A_264, %mul3A_276 : vector<16xf32>
          %mul3A_278 = arith.mulf %gather3A_272, %gather3A_272 : vector<16xf32>
          %add3A_279 = arith.addf %add3A_266, %mul3A_278 : vector<16xf32>
          %mul3A_280 = arith.constant 16 : i32
          %mul3A_281 = arith.muli %scan3A_182, %mul3A_280 : i32
          %add3A_282 = arith.constant 7 : i32
          %add3A_283 = arith.addi %mul3A_281, %add3A_282 : i32
          %broadcast_in_dim3A_284 = vector.broadcast %add3A_283 : i32 to vector<16xi32>
          %gather3A_285 = tpu.vector_load_idx %arg13[%broadcast_in_dim3A_80, %add3A_91, %broadcast_in_dim3A_284] : memref<2x112x128xf32, #tpu.memory_space<vmem>>[vector<16xi32>, vector<16xi32>, vector<16xi32>], vector<16xf32>,
          %slice3A_286 = vector.extract_strided_slice %get3A_189 {offsets = [7], sizes = [1], strides = [1]} : vector<16xf32> to vector<1xf32>
          %squeeze3A_287 = vector.extract %slice3A_286[0] : f32 from vector<1xf32>
          %mul3A_288 = vector.broadcast %squeeze3A_287 : f32 to vector<16xf32>
          %mul3A_289 = arith.mulf %gather3A_285, %mul3A_288 : vector<16xf32>
          %add3A_290 = arith.addf %add3A_277, %mul3A_289 : vector<16xf32>
          %mul3A_291 = arith.mulf %gather3A_285, %gather3A_285 : vector<16xf32>
          %add3A_292 = arith.addf %add3A_279, %mul3A_291 : vector<16xf32>
          %mul3A_293 = arith.constant 16 : i32
          %mul3A_294 = arith.muli %scan3A_182, %mul3A_293 : i32
          %add3A_295 = arith.constant 8 : i32
          %add3A_296 = arith.addi %mul3A_294, %add3A_295 : i32
          %broadcast_in_dim3A_297 = vector.broadcast %add3A_296 : i32 to vector<16xi32>
          %gather3A_298 = tpu.vector_load_idx %arg13[%broadcast_in_dim3A_80, %add3A_91, %broadcast_in_dim3A_297] : memref<2x112x128xf32, #tpu.memory_space<vmem>>[vector<16xi32>, vector<16xi32>, vector<16xi32>], vector<16xf32>,
          %slice3A_299 = vector.extract_strided_slice %get3A_189 {offsets = [8], sizes = [1], strides = [1]} : vector<16xf32> to vector<1xf32>
          %squeeze3A_300 = vector.extract %slice3A_299[0] : f32 from vector<1xf32>
          %mul3A_301 = vector.broadcast %squeeze3A_300 : f32 to vector<16xf32>
          %mul3A_302 = arith.mulf %gather3A_298, %mul3A_301 : vector<16xf32>
          %add3A_303 = arith.addf %add3A_290, %mul3A_302 : vector<16xf32>
          %mul3A_304 = arith.mulf %gather3A_298, %gather3A_298 : vector<16xf32>
          %add3A_305 = arith.addf %add3A_292, %mul3A_304 : vector<16xf32>
          %mul3A_306 = arith.constant 16 : i32
          %mul3A_307 = arith.muli %scan3A_182, %mul3A_306 : i32
          %add3A_308 = arith.constant 9 : i32
          %add3A_309 = arith.addi %mul3A_307, %add3A_308 : i32
          %broadcast_in_dim3A_310 = vector.broadcast %add3A_309 : i32 to vector<16xi32>
          %gather3A_311 = tpu.vector_load_idx %arg13[%broadcast_in_dim3A_80, %add3A_91, %broadcast_in_dim3A_310] : memref<2x112x128xf32, #tpu.memory_space<vmem>>[vector<16xi32>, vector<16xi32>, vector<16xi32>], vector<16xf32>,
          %slice3A_312 = vector.extract_strided_slice %get3A_189 {offsets = [9], sizes = [1], strides = [1]} : vector<16xf32> to vector<1xf32>
          %squeeze3A_313 = vector.extract %slice3A_312[0] : f32 from vector<1xf32>
          %mul3A_314 = vector.broadcast %squeeze3A_313 : f32 to vector<16xf32>
          %mul3A_315 = arith.mulf %gather3A_311, %mul3A_314 : vector<16xf32>
          %add3A_316 = arith.addf %add3A_303, %mul3A_315 : vector<16xf32>
          %mul3A_317 = arith.mulf %gather3A_311, %gather3A_311 : vector<16xf32>
          %add3A_318 = arith.addf %add3A_305, %mul3A_317 : vector<16xf32>
          %mul3A_319 = arith.constant 16 : i32
          %mul3A_320 = arith.muli %scan3A_182, %mul3A_319 : i32
          %add3A_321 = arith.constant 10 : i32
          %add3A_322 = arith.addi %mul3A_320, %add3A_321 : i32
          %broadcast_in_dim3A_323 = vector.broadcast %add3A_322 : i32 to vector<16xi32>
          %gather3A_324 = tpu.vector_load_idx %arg13[%broadcast_in_dim3A_80, %add3A_91, %broadcast_in_dim3A_323] : memref<2x112x128xf32, #tpu.memory_space<vmem>>[vector<16xi32>, vector<16xi32>, vector<16xi32>], vector<16xf32>,
          %slice3A_325 = vector.extract_strided_slice %get3A_189 {offsets = [10], sizes = [1], strides = [1]} : vector<16xf32> to vector<1xf32>
          %squeeze3A_326 = vector.extract %slice3A_325[0] : f32 from vector<1xf32>
          %mul3A_327 = vector.broadcast %squeeze3A_326 : f32 to vector<16xf32>
          %mul3A_328 = arith.mulf %gather3A_324, %mul3A_327 : vector<16xf32>
          %add3A_329 = arith.addf %add3A_316, %mul3A_328 : vector<16xf32>
          %mul3A_330 = arith.mulf %gather3A_324, %gather3A_324 : vector<16xf32>
          %add3A_331 = arith.addf %add3A_318, %mul3A_330 : vector<16xf32>
          %mul3A_332 = arith.constant 16 : i32
          %mul3A_333 = arith.muli %scan3A_182, %mul3A_332 : i32
          %add3A_334 = arith.constant 11 : i32
          %add3A_335 = arith.addi %mul3A_333, %add3A_334 : i32
          %broadcast_in_dim3A_336 = vector.broadcast %add3A_335 : i32 to vector<16xi32>
          %gather3A_337 = tpu.vector_load_idx %arg13[%broadcast_in_dim3A_80, %add3A_91, %broadcast_in_dim3A_336] : memref<2x112x128xf32, #tpu.memory_space<vmem>>[vector<16xi32>, vector<16xi32>, vector<16xi32>], vector<16xf32>,
          %slice3A_338 = vector.extract_strided_slice %get3A_189 {offsets = [11], sizes = [1], strides = [1]} : vector<16xf32> to vector<1xf32>
          %squeeze3A_339 = vector.extract %slice3A_338[0] : f32 from vector<1xf32>
          %mul3A_340 = vector.broadcast %squeeze3A_339 : f32 to vector<16xf32>
          %mul3A_341 = arith.mulf %gather3A_337, %mul3A_340 : vector<16xf32>
          %add3A_342 = arith.addf %add3A_329, %mul3A_341 : vector<16xf32>
          %mul3A_343 = arith.mulf %gather3A_337, %gather3A_337 : vector<16xf32>
          %add3A_344 = arith.addf %add3A_331, %mul3A_343 : vector<16xf32>
          %mul3A_345 = arith.constant 16 : i32
          %mul3A_346 = arith.muli %scan3A_182, %mul3A_345 : i32
          %add3A_347 = arith.constant 12 : i32
          %add3A_348 = arith.addi %mul3A_346, %add3A_347 : i32
          %broadcast_in_dim3A_349 = vector.broadcast %add3A_348 : i32 to vector<16xi32>
          %gather3A_350 = tpu.vector_load_idx %arg13[%broadcast_in_dim3A_80, %add3A_91, %broadcast_in_dim3A_349] : memref<2x112x128xf32, #tpu.memory_space<vmem>>[vector<16xi32>, vector<16xi32>, vector<16xi32>], vector<16xf32>,
          %slice3A_351 = vector.extract_strided_slice %get3A_189 {offsets = [12], sizes = [1], strides = [1]} : vector<16xf32> to vector<1xf32>
          %squeeze3A_352 = vector.extract %slice3A_351[0] : f32 from vector<1xf32>
          %mul3A_353 = vector.broadcast %squeeze3A_352 : f32 to vector<16xf32>
          %mul3A_354 = arith.mulf %gather3A_350, %mul3A_353 : vector<16xf32>
          %add3A_355 = arith.addf %add3A_342, %mul3A_354 : vector<16xf32>
          %mul3A_356 = arith.mulf %gather3A_350, %gather3A_350 : vector<16xf32>
          %add3A_357 = arith.addf %add3A_344, %mul3A_356 : vector<16xf32>
          %mul3A_358 = arith.constant 16 : i32
          %mul3A_359 = arith.muli %scan3A_182, %mul3A_358 : i32
          %add3A_360 = arith.constant 13 : i32
          %add3A_361 = arith.addi %mul3A_359, %add3A_360 : i32
          %broadcast_in_dim3A_362 = vector.broadcast %add3A_361 : i32 to vector<16xi32>
          %gather3A_363 = tpu.vector_load_idx %arg13[%broadcast_in_dim3A_80, %add3A_91, %broadcast_in_dim3A_362] : memref<2x112x128xf32, #tpu.memory_space<vmem>>[vector<16xi32>, vector<16xi32>, vector<16xi32>], vector<16xf32>,
          %slice3A_364 = vector.extract_strided_slice %get3A_189 {offsets = [13], sizes = [1], strides = [1]} : vector<16xf32> to vector<1xf32>
          %squeeze3A_365 = vector.extract %slice3A_364[0] : f32 from vector<1xf32>
          %mul3A_366 = vector.broadcast %squeeze3A_365 : f32 to vector<16xf32>
          %mul3A_367 = arith.mulf %gather3A_363, %mul3A_366 : vector<16xf32>
          %add3A_368 = arith.addf %add3A_355, %mul3A_367 : vector<16xf32>
          %mul3A_369 = arith.mulf %gather3A_363, %gather3A_363 : vector<16xf32>
          %add3A_370 = arith.addf %add3A_357, %mul3A_369 : vector<16xf32>
          %mul3A_371 = arith.constant 16 : i32
          %mul3A_372 = arith.muli %scan3A_182, %mul3A_371 : i32
          %add3A_373 = arith.constant 14 : i32
          %add3A_374 = arith.addi %mul3A_372, %add3A_373 : i32
          %broadcast_in_dim3A_375 = vector.broadcast %add3A_374 : i32 to vector<16xi32>
          %gather3A_376 = tpu.vector_load_idx %arg13[%broadcast_in_dim3A_80, %add3A_91, %broadcast_in_dim3A_375] : memref<2x112x128xf32, #tpu.memory_space<vmem>>[vector<16xi32>, vector<16xi32>, vector<16xi32>], vector<16xf32>,
          %slice3A_377 = vector.extract_strided_slice %get3A_189 {offsets = [14], sizes = [1], strides = [1]} : vector<16xf32> to vector<1xf32>
          %squeeze3A_378 = vector.extract %slice3A_377[0] : f32 from vector<1xf32>
          %mul3A_379 = vector.broadcast %squeeze3A_378 : f32 to vector<16xf32>
          %mul3A_380 = arith.mulf %gather3A_376, %mul3A_379 : vector<16xf32>
          %add3A_381 = arith.addf %add3A_368, %mul3A_380 : vector<16xf32>
          %mul3A_382 = arith.mulf %gather3A_376, %gather3A_376 : vector<16xf32>
          %add3A_383 = arith.addf %add3A_370, %mul3A_382 : vector<16xf32>
          %mul3A_384 = arith.constant 16 : i32
          %mul3A_385 = arith.muli %scan3A_182, %mul3A_384 : i32
          %add3A_386 = arith.constant 15 : i32
          %add3A_387 = arith.addi %mul3A_385, %add3A_386 : i32
          %broadcast_in_dim3A_388 = vector.broadcast %add3A_387 : i32 to vector<16xi32>
          %gather3A_389 = tpu.vector_load_idx %arg13[%broadcast_in_dim3A_80, %add3A_91, %broadcast_in_dim3A_388] : memref<2x112x128xf32, #tpu.memory_space<vmem>>[vector<16xi32>, vector<16xi32>, vector<16xi32>], vector<16xf32>,
          %slice3A_390 = vector.extract_strided_slice %get3A_189 {offsets = [15], sizes = [1], strides = [1]} : vector<16xf32> to vector<1xf32>
          %squeeze3A_391 = vector.extract %slice3A_390[0] : f32 from vector<1xf32>
          %mul3A_392 = vector.broadcast %squeeze3A_391 : f32 to vector<16xf32>
          %mul3A_393 = arith.mulf %gather3A_389, %mul3A_392 : vector<16xf32>
          %add3A_394 = arith.addf %add3A_381, %mul3A_393 : vector<16xf32>
          %mul3A_395 = arith.mulf %gather3A_389, %gather3A_389 : vector<16xf32>
          %add3A_396 = arith.addf %add3A_383, %mul3A_395 : vector<16xf32>
          scf.yield %add3A_394, %add3A_396 : vector<16xf32>, vector<16xf32>
        }
        %scan3A_97 = arith.constant 8 : i32
        %add3A_98 = vector.broadcast %squeeze3A : f32 to vector<16xf32>
        %add3A_99 = arith.addf %add3A_98, %scan3A_96#1 : vector<16xf32>
        %mul3A_100 = arith.constant 2.000000e+00 : f32
        %mul3A_101 = vector.broadcast %mul3A_100 : f32 to vector<16xf32>
        %mul3A_102 = arith.mulf %mul3A_101, %scan3A_96#0 : vector<16xf32>
        %sub3A = arith.subf %add3A_99, %mul3A_102 : vector<16xf32>
        %mul3A_103 = arith.constant 2.000000e+00 : f32
        %mul3A_104 = vector.broadcast %mul3A_103 : f32 to vector<16xf32>
        %mul3A_105 = arith.mulf %mul3A_104, %sub3A : vector<16xf32>
        %sub3A_106 = arith.constant 1.000000e+00 : f32
        %sub3A_107 = arith.subf %sub3A_106, %squeeze3A : f32
        %sub3A_108 = arith.constant 1.000000e+00 : f32
        %sub3A_109 = vector.broadcast %sub3A_108 : f32 to vector<16xf32>
        %sub3A_110 = arith.subf %sub3A_109, %scan3A_96#1 : vector<16xf32>
        %mul3A_111 = vector.broadcast %sub3A_107 : f32 to vector<16xf32>
        %mul3A_112 = arith.mulf %mul3A_111, %sub3A_110 : vector<16xf32>
        %add3A_113 = arith.constant 9.99999974E-6 : f32
        %add3A_114 = vector.broadcast %add3A_113 : f32 to vector<16xf32>
        %add3A_115 = arith.addf %mul3A_112, %add3A_114 : vector<16xf32>
        %div3A = arith.divf %mul3A_105, %add3A_115 : vector<16xf32>
        %add3A_116 = arith.constant 1.000000e+00 : f32
        %add3A_117 = vector.broadcast %add3A_116 : f32 to vector<16xf32>
        %add3A_118 = arith.addf %add3A_117, %div3A : vector<16xf32>
        %max3A = arith.constant 1.000010e+00 : f32
        %max3A_119 = vector.broadcast %max3A : f32 to vector<16xf32>
        %max3A_120 = arith.maximumf %add3A_118, %max3A_119 : vector<16xf32>
        %sub3A_121 = arith.constant 1.000000e+00 : f32
        %sub3A_122 = vector.broadcast %sub3A_121 : f32 to vector<16xf32>
        %sub3A_123 = arith.subf %max3A_120, %sub3A_122 : vector<16xf32>
        %add3A_124 = arith.constant 1.000000e+00 : f32
        %add3A_125 = vector.broadcast %add3A_124 : f32 to vector<16xf32>
        %add3A_126 = arith.addf %max3A_120, %add3A_125 : vector<16xf32>
        %mul3A_127 = arith.mulf %sub3A_123, %add3A_126 : vector<16xf32>
        %bitcast_convert_type3A = tpu.bitcast %mul3A_127 : vector<16xf32> -> vector<16xi32>
        %shift_right_logical3A_128 = arith.constant 1 : i32
        %shift_right_logical3A_129 = vector.broadcast %shift_right_logical3A_128 : i32 to vector<16xi32>
        %shift_right_logical3A_130 = arith.shrui %bitcast_convert_type3A, %shift_right_logical3A_129 : vector<16xi32>
        %sub3A_131 = arith.constant 1597463007 : i32
        %sub3A_132 = vector.broadcast %sub3A_131 : i32 to vector<16xi32>
        %sub3A_133 = arith.subi %sub3A_132, %shift_right_logical3A_130 : vector<16xi32>
        %bitcast_convert_type3A_134 = tpu.bitcast %sub3A_133 : vector<16xi32> -> vector<16xf32>
        %mul3A_135 = arith.constant 5.000000e-01 : f32
        %mul3A_136 = vector.broadcast %mul3A_135 : f32 to vector<16xf32>
        %mul3A_137 = arith.mulf %mul3A_136, %mul3A_127 : vector<16xf32>
        %mul3A_138 = arith.mulf %mul3A_137, %bitcast_convert_type3A_134 : vector<16xf32>
        %mul3A_139 = arith.mulf %mul3A_138, %bitcast_convert_type3A_134 : vector<16xf32>
        %sub3A_140 = arith.constant 1.500000e+00 : f32
        %sub3A_141 = vector.broadcast %sub3A_140 : f32 to vector<16xf32>
        %sub3A_142 = arith.subf %sub3A_141, %mul3A_139 : vector<16xf32>
        %mul3A_143 = arith.mulf %bitcast_convert_type3A_134, %sub3A_142 : vector<16xf32>
        %mul3A_144 = arith.constant 5.000000e-01 : f32
        %mul3A_145 = vector.broadcast %mul3A_144 : f32 to vector<16xf32>
        %mul3A_146 = arith.mulf %mul3A_145, %mul3A_127 : vector<16xf32>
        %mul3A_147 = arith.mulf %mul3A_146, %mul3A_143 : vector<16xf32>
        %mul3A_148 = arith.mulf %mul3A_147, %mul3A_143 : vector<16xf32>
        %sub3A_149 = arith.constant 1.500000e+00 : f32
        %sub3A_150 = vector.broadcast %sub3A_149 : f32 to vector<16xf32>
        %sub3A_151 = arith.subf %sub3A_150, %mul3A_148 : vector<16xf32>
        %mul3A_152 = arith.mulf %mul3A_143, %sub3A_151 : vector<16xf32>
        %mul3A_153 = arith.constant 5.000000e-01 : f32
        %mul3A_154 = vector.broadcast %mul3A_153 : f32 to vector<16xf32>
        %mul3A_155 = arith.mulf %mul3A_154, %mul3A_127 : vector<16xf32>
        %mul3A_156 = arith.mulf %mul3A_155, %mul3A_152 : vector<16xf32>
        %mul3A_157 = arith.mulf %mul3A_156, %mul3A_152 : vector<16xf32>
        %sub3A_158 = arith.constant 1.500000e+00 : f32
        %sub3A_159 = vector.broadcast %sub3A_158 : f32 to vector<16xf32>
        %sub3A_160 = arith.subf %sub3A_159, %mul3A_157 : vector<16xf32>
        %mul3A_161 = arith.mulf %mul3A_152, %sub3A_160 : vector<16xf32>
        %mul3A_162 = arith.mulf %mul3A_127, %mul3A_161 : vector<16xf32>
        %add3A_163 = arith.addf %max3A_120, %mul3A_162 : vector<16xf32>
        %div3A_164 = arith.constant 1.000000e+00 : f32
        %div3A_165 = vector.broadcast %div3A_164 : f32 to vector<16xf32>
        %div3A_166 = arith.divf %div3A_165, %add3A_163 : vector<16xf32>
        %mul3A_167 = arith.constant 16 : i32
        %mul3A_168 = arith.muli %scan3A_87, %mul3A_167 : i32
        %add3A_169 = vector.broadcast %mul3A_168 : i32 to vector<16xi32>
        %add3A_170 = arith.addi %add3A_169, %iota3A : vector<16xi32>
        %lt3A_171 = arith.constant 100 : i32
        %lt3A_172 = vector.broadcast %lt3A_171 : i32 to vector<16xi32>
        %lt3A_173 = arith.cmpi slt, %add3A_170, %lt3A_172 : vector<16xi32>
        %get3A_174 = arith.constant 0 : index
        %get3A_175 = tpu.vector_load %arg16[%get3A_174] {strides = array<i32>} : memref<16xf32, #tpu.memory_space<vmem>>, vector<16xf32>,
        %jit3A_176 = arith.constant 0.000000e+00 : f32
        %broadcast_in_dim3A_177 = vector.broadcast %jit3A_176 : f32 to vector<16xf32>
        %select_n3A_178 = arith.select %lt3A_173, %div3A_166, %broadcast_in_dim3A_177 : vector<16xi1>, vector<16xf32>
        %add3A_179 = arith.addf %get3A_175, %select_n3A_178 : vector<16xf32>
        %swap3A_180 = arith.constant 0 : index
        %swap3A_181 = tpu.vector_load %arg16[%swap3A_180] {strides = array<i32>} : memref<16xf32, #tpu.memory_space<vmem>>, vector<16xf32>,
        tpu.vector_store %arg16[%swap3A_180], %add3A_179 {strides = array<i32>} : memref<16xf32, #tpu.memory_space<vmem>>, vector<16xf32>,
      }
      %scan3A_86 = arith.constant 7 : i32
    }
    %scan3A_36 = arith.constant 256 : i32
    %get3A = arith.constant 0 : index
    %get3A_37 = tpu.vector_load %arg16[%get3A] {strides = array<i32>} : memref<16xf32, #tpu.memory_space<vmem>>, vector<16xf32>,
    %reduce_sum3A = arith.constant true
    %reduce_sum3A_38 = vector.broadcast %reduce_sum3A : i1 to vector<16xi1>
    %reduce_sum3A_39 = tpu.scan <sum>, %get3A_37 masked %reduce_sum3A_38 : vector<16xf32>, vector<16xi1> -> vector<16xf32>
    %reduce_sum3A_40 = vector.extract %reduce_sum3A_39[15] : f32 from vector<16xf32>
    %eq3A = arith.constant 0 : i32
    %eq3A_41 = vector.broadcast %eq3A : i32 to vector<16xi32>
    %eq3A_42 = arith.cmpi eq, %iota3A, %eq3A_41 : vector<16xi32>
    %jit3A = arith.constant 0.000000e+00 : f32
    %broadcast_in_dim3A_43 = vector.broadcast %reduce_sum3A_40 : f32 to vector<16xf32>
    %broadcast_in_dim3A_44 = vector.broadcast %jit3A : f32 to vector<16xf32>
    %select_n3A = arith.select %eq3A_42, %broadcast_in_dim3A_43, %broadcast_in_dim3A_44 : vector<16xi1>, vector<16xf32>
    %swap3A_45 = arith.constant 0 : index
    %swap3A_46 = tpu.vector_load %arg17[%swap3A_45] {strides = array<i32>} : memref<128xf32, #tpu.memory_space<vmem>>, vector<16xf32>,
    tpu.vector_store %arg17[%swap3A_45], %select_n3A {strides = array<i32>} : memref<128xf32, #tpu.memory_space<vmem>>, vector<16xf32>,
    %swap3A_47 = arith.constant 16 : index
    %swap3A_48 = tpu.vector_load %arg17[%swap3A_47] {strides = array<i32>} : memref<128xf32, #tpu.memory_space<vmem>>, vector<16xf32>,
    tpu.vector_store %arg17[%swap3A_47], %broadcast_in_dim3A_1 {strides = array<i32>} : memref<128xf32, #tpu.memory_space<vmem>>, vector<16xf32>,
    %swap3A_49 = arith.constant 32 : index
    %swap3A_50 = tpu.vector_load %arg17[%swap3A_49] {strides = array<i32>} : memref<128xf32, #tpu.memory_space<vmem>>, vector<16xf32>,
    tpu.vector_store %arg17[%swap3A_49], %broadcast_in_dim3A_1 {strides = array<i32>} : memref<128xf32, #tpu.memory_space<vmem>>, vector<16xf32>,
    %swap3A_51 = arith.constant 48 : index
    %swap3A_52 = tpu.vector_load %arg17[%swap3A_51] {strides = array<i32>} : memref<128xf32, #tpu.memory_space<vmem>>, vector<16xf32>,
    tpu.vector_store %arg17[%swap3A_51], %broadcast_in_dim3A_1 {strides = array<i32>} : memref<128xf32, #tpu.memory_space<vmem>>, vector<16xf32>,
    %swap3A_53 = arith.constant 64 : index
    %swap3A_54 = tpu.vector_load %arg17[%swap3A_53] {strides = array<i32>} : memref<128xf32, #tpu.memory_space<vmem>>, vector<16xf32>,
    tpu.vector_store %arg17[%swap3A_53], %broadcast_in_dim3A_1 {strides = array<i32>} : memref<128xf32, #tpu.memory_space<vmem>>, vector<16xf32>,
    %swap3A_55 = arith.constant 80 : index
    %swap3A_56 = tpu.vector_load %arg17[%swap3A_55] {strides = array<i32>} : memref<128xf32, #tpu.memory_space<vmem>>, vector<16xf32>,
    tpu.vector_store %arg17[%swap3A_55], %broadcast_in_dim3A_1 {strides = array<i32>} : memref<128xf32, #tpu.memory_space<vmem>>, vector<16xf32>,
    %swap3A_57 = arith.constant 96 : index
    %swap3A_58 = tpu.vector_load %arg17[%swap3A_57] {strides = array<i32>} : memref<128xf32, #tpu.memory_space<vmem>>, vector<16xf32>,
    tpu.vector_store %arg17[%swap3A_57], %broadcast_in_dim3A_1 {strides = array<i32>} : memref<128xf32, #tpu.memory_space<vmem>>, vector<16xf32>,
    %swap3A_59 = arith.constant 112 : index
    %swap3A_60 = tpu.vector_load %arg17[%swap3A_59] {strides = array<i32>} : memref<128xf32, #tpu.memory_space<vmem>>, vector<16xf32>,
    tpu.vector_store %arg17[%swap3A_59], %broadcast_in_dim3A_1 {strides = array<i32>} : memref<128xf32, #tpu.memory_space<vmem>>, vector<16xf32>,
    "tpu.region"() ({
      %run_scoped3A = tpu.sem_alloc : memref<!tpu.dma_semaphore, #tpu.memory_space<semaphore_mem>>
      %dma_start3A_61 = arith.constant 0 : i32
      %dma_start3A_62 = tpu.memref_slice %arg7[%add3A, %dma_start3A_61] : memref<32x128xf32, #tpu.memory_space<hbm>> -> memref<1x128xf32, #tpu.memory_space<hbm>>
      %dma_start3A_63 = tpu.memref_squeeze %dma_start3A_62 : memref<1x128xf32, #tpu.memory_space<hbm>> -> memref<128xf32, #tpu.memory_space<hbm>>
      %dma_start3A_64 = arith.constant 0 : i32
      %dma_start3A_65 = tpu.memref_slice %arg7[%add3A, %dma_start3A_64] : memref<32x128xf32, #tpu.memory_space<hbm>> -> memref<1x128xf32, #tpu.memory_space<hbm>>
      %dma_start3A_66 = tpu.memref_squeeze %dma_start3A_65 : memref<1x128xf32, #tpu.memory_space<hbm>> -> memref<128xf32, #tpu.memory_space<hbm>>
      tpu.enqueue_dma source(%arg17 : memref<128xf32, #tpu.memory_space<vmem>>) target(%dma_start3A_66 : memref<128xf32, #tpu.memory_space<hbm>>) target_semaphore(%run_scoped3A : memref<!tpu.dma_semaphore, #tpu.memory_space<semaphore_mem>>)
      %dma_wait3A_67 = arith.constant 0 : i32
      %dma_wait3A_68 = tpu.memref_slice %arg7[%add3A, %dma_wait3A_67] : memref<32x128xf32, #tpu.memory_space<hbm>> -> memref<1x128xf32, #tpu.memory_space<hbm>>
      %dma_wait3A_69 = tpu.memref_squeeze %dma_wait3A_68 : memref<1x128xf32, #tpu.memory_space<hbm>> -> memref<128xf32, #tpu.memory_space<hbm>>
      %dma_wait3A_70 = arith.constant 0 : i32
      %dma_wait3A_71 = tpu.memref_slice %arg7[%add3A, %dma_wait3A_70] : memref<32x128xf32, #tpu.memory_space<hbm>> -> memref<1x128xf32, #tpu.memory_space<hbm>>
      %dma_wait3A_72 = tpu.memref_squeeze %dma_wait3A_71 : memref<1x128xf32, #tpu.memory_space<hbm>> -> memref<128xf32, #tpu.memory_space<hbm>>
      tpu.wait_dma2 semaphore(%run_scoped3A : memref<!tpu.dma_semaphore, #tpu.memory_space<semaphore_mem>>) src(%arg17 : memref<128xf32, #tpu.memory_space<vmem>>) dst(%dma_wait3A_72 : memref<128xf32, #tpu.memory_space<hbm>>)
      tpu.yield
    }) : () -> ()
    return
  }
}

module attributes {stable_mosaic.version = 14 : i64} {
  func.func @_combine_body(%arg0: memref<32x128xf32, #tpu.memory_space<vmem>>, %arg1: memref<32x128xf32, #tpu.memory_space<vmem>>, %arg2: memref<32x128xf32, #tpu.memory_space<vmem>>) attributes {dimension_semantics = [], scalar_prefetch = 0 : i64, scratch_operands = 0 : i64, tpu.core_type = #tpu.core_type<tc>} {
    %get3A = arith.constant 0 : index
    %get3A_0 = arith.constant 0 : index
    %get3A_1 = vector.load %arg1[%get3A, %get3A_0] : memref<32x128xf32, #tpu.memory_space<vmem>>, vector<32x128xf32>
    %reduce_sum3A = vector.shape_cast %get3A_1 : vector<32x128xf32> to vector<1x32x128xf32>
    %reduce_sum3A_2 = arith.constant dense<0.000000e+00> : vector<1xf32>
    %reduce_sum3A_3 = vector.multi_reduction <add>, %reduce_sum3A, %reduce_sum3A_2 [1, 2] : vector<1x32x128xf32> to vector<1xf32>
    %reduce_sum3A_4 = vector.shape_cast %reduce_sum3A_3 : vector<1xf32> to vector<1x1x1xf32>
    %reduce_sum3A_5 = vector.extract %reduce_sum3A_4[0, 0, 0] : f32 from vector<1x1x1xf32>
    %get3A_6 = arith.constant 0 : index
    %get3A_7 = arith.constant 0 : index
    %get3A_8 = vector.load %arg0[%get3A_6, %get3A_7] : memref<32x128xf32, #tpu.memory_space<vmem>>, vector<32x128xf32>
    %div3A = arith.constant 1.000000e+00 : f32
    %div3A_9 = arith.divf %div3A, %reduce_sum3A_5 : f32
    %mul3A = vector.broadcast %div3A_9 : f32 to vector<32x128xf32>
    %mul3A_10 = arith.mulf %get3A_8, %mul3A : vector<32x128xf32>
    %swap3A = arith.constant 0 : index
    %swap3A_11 = arith.constant 0 : index
    %swap3A_12 = vector.load %arg2[%swap3A, %swap3A_11] : memref<32x128xf32, #tpu.memory_space<vmem>>, vector<32x128xf32>
    tpu.vector_store %arg2[%swap3A, %swap3A_11], %mul3A_10 {strides = array<i32>} : memref<32x128xf32, #tpu.memory_space<vmem>>, vector<32x128xf32>,
    return
  }
}

</mosaic_0001>

<sc_bundles>
// kernel: kernel.4.cloned.1.call-start
scs
__scs_entry_jumppad:
0x0: {  	(pc) =	sbr.rel $0x88, $3  }
0x1: {  	(tag) =	ssettag $0x0;
	lr =	simm.s32 $0x1  }
0x2: {  	[smem:$0x3F9D] =	sst lr;
	_ =	strace $0xD0000000  }
0x3: {  	_ = 	snop  }
0x4: {  	_ = 	snop  }
0x5: {  	_ = 	snop  }
0x6: {  	_ = 	snop  }
0x7: {  	_ = 	snop  }
__scs_overlays_trampoline_lowered:
0x8: {  	[smem:$0x3FAC] =	sst s0  }
0x9: {  	[smem:$0x3FAD] =	sst s1  }
0xa: {  	[smem:$0x3FAE] =	sst s2  }
0xb: {  	[smem:$0x3FAF] =	sst s3  }
0xc: {  	[smem:$0x3FB0] =	sst s4  }
0xd: {  	[smem:$0x3FB1] =	sst s5  }
0xe: {  	[smem:$0x3FB2] =	sst s6  }
0xf: {  	[smem:$0x3FB3] =	sst s7  }
0x10: {  	[smem:$0x3FB4] =	sst s8  }
0x11: {  	[smem:$0x3FB5] =	sst s9;
	s0 =	simm.s32 @!p0 $0x0  }
0x12: {  	s1 =	sld [smem:$0x3F9B];
	s0 =	simm.s32 @p0 $0x1  }
0x13: {  	[smem:$0x3FB6] =	sst s0;
	s0 =	simm.s32 @!p1 $0x0  }
0x14: {  	s2 =	sld [smem:$0x3F9A];
	s0 =	simm.s32 @p1 $0x1  }
0x15: {  	[smem:$0x3FB7] =	sst s0;
	s0 =	simm.s32 @!p2 $0x0  }
0x16: {  	s3 =	sld [smem:$0x3FDB];
	s0 =	simm.s32 @p2 $0x1  }
0x17: {  	s4 =	simm.s32 $0x1BF5;
	[smem:$0x3FB9] =	sst s0  }
0x18: {  	s0 =	sld [smem:$0x3F9C];
	_ =	swait.ge [sflag:s4], $0x0  }
0x19: {  	s7 =	sld [smem:$0x3F9D]  }
0x1a: {  	s8 =	sadd.s32 $0xFFFFE003, lr  }
0x1b: {  	s9 =	sadd.s32 $0xFFFFFEF7, lr;
	s5 =	simm.s32 $0xFFFFFFFF;
	p2 =	slt.u32 s8, $0xFFFFF086  }
0x1c: {  	p1 =	slt.u32 s9, $0xF7A;
	s5 =	simm.s32 @!p2 $0x0  }
0x1d: {  	s5 =	simm.s32 @p1 $0x1;
	p0 =	seq.s32 s7, s2  }
0x1e: {  	s7 =	smul.u32 @!p0 $0xF7A, s2;
	p2 =	seq.s32 @!p0 s5, $0x0  }
0x1f: {  	s9 =	smul.u32 $0xF7A, s1;
	s8 =	simm.s32 @!p0 $0x1BF5;
	p2 =	por !p2, p0  }
0x20: {  	[sflag:s8] =	ssyncset.s32 @!p0 $0xFFFFF086;
	s6 =	sadd.s32 @!p0 s3, s7;
	s7 =	simm.s32 @!p0 $0x108  }
0x21: {  	s3 =	sadd.s32 s3, s9;
	s6 =	sadd.s32 @!p0 $0x88, s6;
	s7 =	simm.s32 @p2 $0x1082  }
0x22: {  	[simem:s7], [sflag:s8] =	dma.local @!p0 [hbm:s6], $0xF7A  }
0x23: {  	s9 =	sor.u32 $0xD0000000, s2;
	s6 =	simm.s32 $0x108;
	_ =	swait.ge @!p0 [sflag:s8], $0x0  }
0x24: {  	s3 =	sadd.s32 $0x88, s3;
	s6 =	simm.s32 @!p1 $0x1082;
	[sflag:s4] =	ssyncset.s32 $0xFFFFF086  }
0x25: {  	[simem:s6], [sflag:s4] =	dma.local [hbm:s3], $0xF7A  }
0x26: {  	[smem:$0x3F9D] =	sst s1;
	(tag) =	ssettag s2;
	_ =	strace s9  }
0x27: {  	s1 =	sld [smem:$0x3FAD]  }
0x28: {  	s2 =	sld [smem:$0x3FAE]  }
0x29: {  	s4 =	sld [smem:$0x3FB0]  }
0x2a: {  	p0 =	seq.s32 s5, $0x0;
	s5 =	sld [smem:$0x3FB1]  }
0x2b: {  	s6 =	sld [smem:$0x3FB2]  }
0x2c: {  	s7 =	sld [smem:$0x3FB3]  }
0x2d: {  	s3 =	simm.s32 $0x108;
	s8 =	sld [smem:$0x3FB4]  }
0x2e: {  	s3 =	simm.s32 @!p0 $0x1082;
	s9 =	sld [smem:$0x3FB5]  }
0x2f: {  	lr =	sadd.s32 s0, s3;
	s0 =	sld [smem:$0x3FAC]  }
0x30: {  	s3 =	sld [smem:$0x3FAF]  }
0x31: {  	[smem:$0x3FB8] =	sst s10  }
0x32: {  	s10 =	sld [smem:$0x3FB6];
	_ =	sdelay $0x3  }
0x33: {  	p0 =	seq.s32 s10, $0x1;
	s10 =	sld [smem:$0x3FB8];
	_ =	sdelay $0x3  }
0x34: {  	[smem:$0x3FB8] =	sst s10  }
0x35: {  	s10 =	sld [smem:$0x3FB7];
	_ =	sdelay $0x3  }
0x36: {  	p1 =	seq.s32 s10, $0x1;
	s10 =	sld [smem:$0x3FB8];
	_ =	sdelay $0x3  }
0x37: {  	[smem:$0x3FB8] =	sst s10  }
0x38: {  	s10 =	sld [smem:$0x3FB9]  }
0x39: {  	_ = 	snop;
	(pc) =	sbr.ind lr, $3  }
0x3a: {  	_ = 	snop  }
0x3b: {  	_ = 	snop  }
0x3c: {  	p2 =	seq.s32 s10, $0x1;
	s10 =	sld [smem:$0x3FB8]  }
0x3d: {  	_ =	shalt  }
0x3e: {  	_ =	shalt  }
0x3f: {  	_ =	shalt  }
0x40: {  	_ =	shalt  }
0x41: {  	_ =	shalt  }
0x42: {  	_ =	shalt  }
0x43: {  	_ =	shalt  }
0x44: {  	_ =	shalt  }
0x45: {  	_ =	shalt  }
0x46: {  	_ =	shalt  }
0x47: {  	_ =	shalt  }
0x48: {  	_ =	shalt  }
0x49: {  	_ =	shalt  }
0x4a: {  	_ =	shalt  }
0x4b: {  	_ =	shalt  }
0x4c: {  	_ =	shalt  }
0x4d: {  	_ =	shalt  }
0x4e: {  	_ =	shalt  }
0x4f: {  	_ =	shalt  }
0x50: {  	_ =	shalt  }
0x51: {  	_ =	shalt  }
0x52: {  	_ =	shalt  }
0x53: {  	_ =	shalt  }
0x54: {  	_ =	shalt  }
0x55: {  	_ =	shalt  }
0x56: {  	_ =	shalt  }
0x57: {  	_ =	shalt  }
0x58: {  	_ =	shalt  }
0x59: {  	_ =	shalt  }
0x5a: {  	_ =	shalt  }
0x5b: {  	_ =	shalt  }
0x5c: {  	_ =	shalt  }
0x5d: {  	_ =	shalt  }
0x5e: {  	_ =	shalt  }
0x5f: {  	_ =	shalt  }
0x60: {  	_ =	shalt  }
0x61: {  	_ =	shalt  }
0x62: {  	_ =	shalt  }
0x63: {  	_ =	shalt  }
0x64: {  	_ =	shalt  }
0x65: {  	_ =	shalt  }
0x66: {  	_ =	shalt  }
0x67: {  	_ =	shalt  }
0x68: {  	_ =	shalt  }
0x69: {  	_ =	shalt  }
0x6a: {  	_ =	shalt  }
0x6b: {  	_ =	shalt  }
0x6c: {  	_ =	shalt  }
0x6d: {  	_ =	shalt  }
0x6e: {  	_ =	shalt  }
0x6f: {  	_ =	shalt  }
0x70: {  	_ =	shalt  }
0x71: {  	_ =	shalt  }
0x72: {  	_ =	shalt  }
0x73: {  	_ =	shalt  }
0x74: {  	_ =	shalt  }
0x75: {  	_ =	shalt  }
0x76: {  	_ =	shalt  }
0x77: {  	_ =	shalt  }
0x78: {  	_ =	shalt  }
0x79: {  	_ =	shalt  }
0x7a: {  	_ =	shalt  }
0x7b: {  	_ =	shalt  }
0x7c: {  	_ =	shalt  }
0x7d: {  	_ =	shalt  }
0x7e: {  	_ =	shalt  }
0x7f: {  	_ =	shalt  }
0x80: {  	_ =	shalt  }
0x81: {  	_ =	shalt  }
0x82: {  	_ =	shalt  }
0x83: {  	_ =	shalt  }
0x84: {  	_ =	shalt  }
0x85: {  	_ =	shalt  }
0x86: {  	_ =	shalt  }
0x87: {  	_ =	shalt  }
.Lfunc_end0:
.L_simem_size_0:
called_computation_lowered:
.L_overlay_start_0:
0x88: {  	s2 =	sld [smem:$0x3FD9]  }
0x89: {  	s3 =	sld [smem:$0x3FFE];
	_ =	sdelay $0x1  }
0x8a: {  	s1 =	srdreg.scid  }
0x8b: {  	s0 =	sand.u32 $0x1, s1  }
0x8c: {  	s17 =	sshll.u32 s0, $0xA;
	s2 =	sadd.s32 s3, s2  }
0x8d: {  	s2 =	sadd.s32 s2, s17  }
0x8e: {  	[smem:$0x3FC4] =	sst s2  }
0x8f: {  	_ = 	snop  }
0x90: {  	s2 =	sld [smem:$0x3FC9]  }
0x91: {  	s18 =	sld [smem:$0x3FC8]  }
0x92: {  	s4 =	sld [smem:$0x3FC7]  }
0x93: {  	s5 =	sld [smem:$0x3FD0];
	(tm) =	ssettm $0x1  }
0x94: {  	s6 =	sld [smem:$0x3FFB];
	_ =	sdelay $0x3  }
0x95: {  	_ =	strace s6  }
0x96: {  	s6 =	sld [smem:$0x3FFC];
	_ =	sdelay $0x3  }
0x97: {  	_ =	strace s6  }
0x98: {  	s6 =	sld [smem:$0x3FFD];
	_ =	sdelay $0x3  }
0x99: {  	_ =	strace s6  }
0x9a: {  	_ =	strace $0x8FFFFFFF  }
0x9b: {  	s19 =	sld [smem:$0x3FDB];
	_ =	sdelay $0x1  }
0x9c: {  	s7 =	simm.s32 $_scs_section_size  }
0x9d: {  	s8 =	simm.s32 $_size__tile_overlayer_lowered;
	s9 =	simm.s32 $_tile_overlayer_lowered  }
0x9e: {  	s22 =	simm.s32 $0x1BFF;
	s21 =	sshll.u32 s9, $0x1;
	s6 =	sadd.s32 s7, s19  }
0x9f: {  	s10 =	simm.s32 $0x0;
	s20 =	sshll.u32 s8, $0x1;
	s8 =	sadd.s32 s21, s6  }
0xa0: {  	[timem:s10], [sflag:s22] =	dma.local [hbm:s8], s20  }
0xa1: {  	_ =	swait.ge [sflag:s22], s20  }
0xa2: {  	s7 =	ssub.s32 $0x0, s20;
	[sflag:s22] =	ssyncset.done $0x0  }
0xa3: {  	[sflag:s22] =	ssyncadd.s32 s7;
	_ =	sdelay $0x1  }
0xa4: {  	s23 =	simm.s32 $0x1B8B  }
0xa5: {  	_ =	swait.ge [sflag:s23], $0x1  }
0xa6: {  	[sflag:s23] =	ssyncset.done $0x0  }
0xa7: {  	s25 =	simm.s32 $0x1B8E;
	s24 =	sld [smem:$0x3FFE];
	[sflag:s23] =	ssyncadd.s32 $0xFFFFFFFF  }
0xa8: {  	s26 =	simm.s32 $execute0_lowered;
	[smem:$0x3FD2] =	sst s25  }
0xa9: {  	s8 =	sshll.u32 s26, $0x1;
	_ =	strace $0x80000046;
	[dreg:$0x1] =	wrdreg $0xFFFFFFFF  }
0xaa: {  	s28 =	simm.s32 $_size_execute0_lowered;
	s6 =	sadd.s32 s6, s8;
	[dreg:$0x0] =	wrdreg $0x0  }
0xab: {  	s8 =	sshll.u32 s28, $0x1;
	[dreg:$0x2] =	wrdreg s6  }
0xac: {  	[dreg:$0x3] =	wrdreg s8  }
0xad: {  	[dreg:$0x4] =	wrdreg $0xC0  }
0xae: {  	_ =	task [dreg:s10], $0x5FFFF  }
0xaf: {  	[dreg:$0x1] =	wrdreg $0xFFFFFFFF  }
0xb0: {  	[dreg:$0x0] =	wrdreg $0x60  }
0xb1: {  	[dreg:$0x2] =	wrdreg s2  }
0xb2: {  	[dreg:$0x3] =	wrdreg s18  }
0xb3: {  	[dreg:$0x4] =	wrdreg s4  }
0xb4: {  	[dreg:$0x5] =	wrdreg s24  }
0xb5: {  	[dreg:$0x6] =	wrdreg s5  }
0xb6: {  	[dreg:$0x7] =	wrdreg $0x9  }
0xb7: {  	_ =	task.clear_ibuf [dreg:s10], $0x8FFFF;
	_ =	strace $0x90000046  }
0xb8: {  	s29 =	simm.s32 $0x9;
	_ =	strace $0x80000048  }
0xb9: {  	_ =	swait.ge [sflag:s29], $0x1  }
0xba: {  	[sflag:s29] =	ssyncadd.s32 $0xFFFFFFFF  }
0xbb: {  	_ =	strace $0x90000048  }
0xbc: {  	_ =	sfence  }
0xbd: {  	s30 =	sld [smem:$0x0];
	_ =	sdelay $0x2  }
0xbe: {  	s31 =	sshll.u32 s1, $0xD;
	s1 =	sshrl.u32 s1, $0x2  }
0xbf: {  	s3 =	sand.u32 $0x4000, s31;
	s1 =	sadd.s32 s1, s30  }
0xc0: {  	s0 =	sor.u32 s3, s0;
	s1 =	sshll.u32 s1, $0x11  }
0xc1: {  	s0 =	sor.u32 s1, s0  }
0xc2: {  	s0 =	sadd.s32 $0x8F2B, s0  }
0xc3: {  	[sflag:s0] =	ssyncadd.remote.s32 $0x1  }
0xc4: {  	_ =	sfence.sel $0xFFFF  }
0xc5: {  	[dreg:$0x0] =	wrdreg $0xFFFFFFFF;
	(pc) =	sbr.abs _section_cstart, $3  }
0xc6: {  	[dreg:$0x1] =	wrdreg $0xFFFFFFFF  }
0xc7: {  	_ =	task.clear_ibuf [dreg:s10], $0x2FFFF;
	_ =	strace $0x9FFFFFFF  }
0xc8: {  	(tm) =	ssettm $0x7FFFFFFF  }
0xc9: {  	_ =	shalt  }
tec
execute0_lowered:
.L_overlay_start_1:
0x0: {  	(tag) =	ssettag $0x1  }
0x1: {  	s1 =	rddreg [dreg:$0x0]  }
0x2: {  	s4 =	rddreg [dreg:$0x1]  }
0x3: {  	s5 =	rddreg [dreg:$0x2]  }
0x4: {  	s6 =	rddreg [dreg:$0x3]  }
0x5: {  	s7 =	rddreg [dreg:$0x4]  }
0x6: {  	s3 =	simm.s32 $0x0;
	s8 =	srdreg.scid;
	s0 =	stileid.u32  }
0x7: {  	s13 =	simm.s32 $0x8100;
	s14 =	simm.s32 $0xC100;
	s15 =	simm.s32 $0x68  }
0x8: {  	s16 =	simm.s32 $0x10100;
	s17 =	simm.s32 $0x2;
	s18 =	simm.s32 $0x17200  }
0x9: {  	s19 =	simm.s32 $0x1;
	s20 =	simm.s32 $0x17300;
	s21 =	simm.s32 $0x0  }
0xa: {  	[smem:$0x7FF] =	sst s3;
	s8 =	sand.u32 $0x1, s8;
	s9 =	sshll.u32 s0, $0x1  }
0xb: {  	_ =	strace $0x80000047;
	s9 =	sor.u32 s8, s9;
	s8 =	ssub.s32 $0x2, s8  }
0xc: {  	s10 =	sshll.u32 s9, $0xC;
	s9 =	sshll.u32 s9, $0x4;
	s11 =	sshrl.u32 s8, $0x1  }
0xd: {  	s10 =	sadd.s32 s10, s6;
	s12 =	sadd.s32 s9, s6;
	s11 =	ssub.s32 s8, s11  }
0xe: {  	s4 =	sadd.s32 s4, s9;
	s5 =	sadd.s32 s5, s9;
	s7 =	sadd.s32 s7, s9  }
0xf: {  	v0 =	vlaneseq.u32;
	s6 =	sadd.s32 $0xE00, s10;
	s8 =	sadd.s32 $0x20E00, s12;
	s9 =	smax.u32 s11, $0x1  }
0x10: {  	v1 =	vimm.f32 $0.0e+00;
	vm0 =	vmmov $0x1;
	v2 =	vmul.u32 $0x80, v0;
	s10 =	simm.s32 $0x3;
	s11 =	simm.s32 $0x80;
	s12 =	simm.s32 $0x100  }
.LBB2_1:
0x11: {  	[tilespmem:s3], [sflag:$0x3] =	stream.linear.gather [hbm4b:s4+s3], $0x80, $0x38;
	[tilespmem:$0x17380] =	vst v63  }
0x12: {  	_ =	swait.ge [sflag:s10], $0x80  }
0x13: {  	[sflag:s10] =	ssyncset.done $0x0  }
0x14: {  	[sflag:s10] =	ssyncadd.s32 $0xFFFFFF80  }
0x15: {  	[tilespmem:s11], [sflag:$0x3] =	stream.linear.gather [hbm4b:s5+s3], $0x80, $0x38;
	[tilespmem:$0x17380] =	vst v63  }
0x16: {  	_ =	swait.ge [sflag:s10], $0x80  }
0x17: {  	[sflag:s10] =	ssyncset.done $0x0  }
0x18: {  	[sflag:s10] =	ssyncadd.s32 $0xFFFFFF80  }
0x19: {  	[tilespmem:s12], [sflag:$0x3] =	stream.linear.gather [hbm4b:s6+s3], $0x8000, $0x38;
	[tilespmem:$0x17380] =	vst v63  }
0x1a: {  	_ =	swait.ge [sflag:s10], $0x8000  }
0x1b: {  	[sflag:s10] =	ssyncset.done $0x0  }
0x1c: {  	[sflag:s10] =	ssyncadd.s32 $0xFFFF8000  }
0x1d: {  	[tilespmem:s13], [sflag:$0x2] =	stream.indirect.gather [hbm4b:s1+s11], $0x80, s3, s11, $0xb8;
	[tilespmem:$0x17380] =	vst v63  }
0x1e: {  	_ = 	snop  }
0x1f: {  	[tilespmem:s14], [sflag:$0x2] =	stream.indirect.gather [hbm4b:s1+s11], $0x80, s11, s11, $0xb8;
	[tilespmem:$0x17380] =	vst v63  }
0x20: {  	_ = 	snop  }
0x21: {  	[tilespmem:s16], [sflag:$0x1] =	stream.indirect.gather [hbm4b:s1+s15], $0x80, s12, s15, $0xb8;
	[tilespmem:$0x17380] =	vst v63  }
0x22: {  	_ =	swait.ge [sflag:s17], $0x4000  }
0x23: {  	[sflag:s17] =	ssyncset.done $0x0  }
0x24: {  	[sflag:s17] =	ssyncadd.s32 $0xFFFFC000  }
0x25: {  	_ =	swait.ge [sflag:s17], $0x4000  }
0x26: {  	[sflag:s17] =	ssyncset.done $0x0  }
0x27: {  	[sflag:s17] =	ssyncadd.s32 $0xFFFFC000  }
0x28: {  	s22 =	simm.s32 $0x0;
	[tilespmem:$0x17280] =	vst v1  }
.LBB2_2:
0x29: {  	s23 =	sshll.u32 s22, $0x4;
	v4 =	vimm.f32 $0.0e+00;
	s24 =	simm.s32 $0xF;
	s25 =	simm.s32 $0xD  }
0x2a: {  	s26 =	simm.s32 $0xE;
	s30 =	simm.s32 $0xA;
	s28 =	simm.s32 $0xB;
	v3 =	vmov s23;
	v5 =	vmov s24;
	v14 =	vmov s25  }
0x2b: {  	s31 =	simm.s32 $0xC;
	s0 =	simm.s32 $0x7;
	s29 =	simm.s32 $0x8;
	v13 =	vmov s26;
	v12 =	vmov s30;
	v17 =	vmov s28  }
0x2c: {  	s2 =	simm.s32 $0x9;
	v18 =	vmov s31;
	v11 =	vmov s0;
	v15 =	vmov s29  }
0x2d: {  	s25 =	simm.s32 $0x4;
	s30 =	simm.s32 $0x5;
	s31 =	simm.s32 $0x6;
	v16 =	vmov s2;
	v3 =	vshll.u32 v3, $0x7;
	v5 =	vand.u32 $0x7F, v5  }
0x2e: {  	s0 =	simm.s32 $0x0;
	s2 =	simm.s32 $0x2;
	v10 =	vmov s25;
	v8 =	vmov s30;
	v9 =	vmov s31  }
0x2f: {  	s30 =	simm.s32 $0x3;
	v6 =	vmov s0;
	s31 =	simm.s32 $0x1;
	v20 =	vmov s2;
	v3 =	vor.u32 v2, v3  }
0x30: {  	v19 =	vmov s30;
	v22 =	vand.u32 $0x70, v6;
	v21 =	vmov s31  }
0x31: {  	s24 =	simm.s32 $0x1F;
	v7 =	vbroadcast v5, $0x0;
	v6 =	vimm.f32 $0.0e+00;
	v5 =	vimm.f32 $0.0e+00  }
.LBB2_3:
0x32: {  	p0 =	sne.s32 s24, $0x7F;
	v22 =	vbroadcast v22, $0x0;
	v14 =	vand.u32 $0x7D, v14;
	v13 =	vand.u32 $0x7E, v13  }
0x33: {  	v21 =	vand.u32 $0x71, v21;
	v17 =	vand.u32 $0x7B, v17;
	v18 =	vand.u32 $0x7C, v18  }
0x34: {  	v12 =	vand.u32 $0x7A, v12;
	v21 =	vbroadcast v21, $0x0;
	v22 =	vor.u32 v3, v22  }
0x35: {  	v20 =	vand.u32 $0x72, v20;
	v15 =	vand.u32 $0x78, v15;
	v16 =	vand.u32 $0x79, v16  }
0x36: {  	v11 =	vand.u32 $0x77, v11;
	v20 =	vbroadcast v20, $0x0;
	v21 =	vor.u32 v3, v21  }
0x37: {  	v19 =	vand.u32 $0x73, v19;
	v9 =	vand.u32 $0x76, v9;
	v13 =	vbroadcast v13, $0x0  }
0x38: {  	v19 =	vbroadcast v19, $0x0;
	v14 =	vbroadcast v14, $0x0;
	v20 =	vor.u32 v3, v20  }
0x39: {  	v10 =	vand.u32 $0x74, v10;
	v17 =	vbroadcast v17, $0x0;
	v18 =	vbroadcast v18, $0x0;
	v23 =	vld.idx.msk [tilespmem:v22+s13+$0x0], $0xffff  }
0x3a: {  	v10 =	vbroadcast v10, $0x0;
	v12 =	vbroadcast v12, $0x0;
	v19 =	vor.u32 v3, v19;
	v22 =	vld.idx.msk [tilespmem:v22+s14+$0x0], $0xffff  }
0x3b: {  	v8 =	vand.u32 $0x75, v8;
	v15 =	vbroadcast v15, $0x0;
	v16 =	vbroadcast v16, $0x0;
	v24 =	vld.idx.msk [tilespmem:v21+s13+$0x0], $0xffff  }
0x3c: {  	v8 =	vbroadcast v8, $0x0;
	v11 =	vbroadcast v11, $0x0;
	v10 =	vor.u32 v3, v10;
	v21 =	vld.idx.msk [tilespmem:v21+s14+$0x0], $0xffff  }
0x3d: {  	v9 =	vbroadcast v9, $0x0;
	v7 =	vor.u32 v3, v7;
	v13 =	vor.u32 v3, v13;
	v25 =	vld.idx.msk [tilespmem:v20+s13+$0x0], $0xffff  }
0x3e: {  	v8 =	vor.u32 v3, v8;
	v18 =	vor.u32 v3, v18;
	v14 =	vor.u32 v3, v14;
	v20 =	vld.idx.msk [tilespmem:v20+s14+$0x0], $0xffff  }
0x3f: {  	v16 =	vor.u32 v3, v16;
	v12 =	vor.u32 v3, v12;
	v17 =	vor.u32 v3, v17;
	v26 =	vld.idx.msk [tilespmem:v19+s13+$0x0], $0xffff  }
0x40: {  	v9 =	vor.u32 v3, v9;
	v15 =	vor.u32 v3, v15;
	v27 =	vmul.f32 v22, v23;
	v19 =	vld.idx.msk [tilespmem:v19+s14+$0x0], $0xffff  }
0x41: {  	v11 =	vor.u32 v3, v11;
	v23 =	vmul.f32 v23, v23;
	v22 =	vmul.f32 v22, v22;
	v28 =	vld.idx.msk [tilespmem:v10+s13+$0x0], $0xffff  }
0x42: {  	v4 =	vadd.f32 v27, v4;
	v27 =	vmul.f32 v21, v24;
	v24 =	vmul.f32 v24, v24;
	v10 =	vld.idx.msk [tilespmem:v10+s14+$0x0], $0xffff  }
0x43: {  	v6 =	vadd.f32 v23, v6;
	v5 =	vadd.f32 v22, v5;
	v21 =	vmul.f32 v21, v21;
	v22 =	vld.idx.msk [tilespmem:v8+s13+$0x0], $0xffff  }
0x44: {  	v4 =	vadd.f32 v27, v4;
	v23 =	vmul.f32 v20, v25;
	v25 =	vmul.f32 v25, v25;
	v8 =	vld.idx.msk [tilespmem:v8+s14+$0x0], $0xffff  }
0x45: {  	v6 =	vadd.f32 v24, v6;
	v5 =	vadd.f32 v21, v5;
	v20 =	vmul.f32 v20, v20;
	v21 =	vld.idx.msk [tilespmem:v9+s13+$0x0], $0xffff  }
0x46: {  	v24 =	vmul.f32 v26, v26;
	v4 =	vadd.f32 v23, v4;
	v23 =	vmul.f32 v19, v26;
	v9 =	vld.idx.msk [tilespmem:v9+s14+$0x0], $0xffff  }
0x47: {  	v6 =	vadd.f32 v25, v6;
	v5 =	vadd.f32 v20, v5;
	v19 =	vmul.f32 v19, v19;
	v20 =	vld.idx.msk [tilespmem:v11+s13+$0x0], $0xffff  }
0x48: {  	v25 =	vmul.f32 v28, v28;
	v4 =	vadd.f32 v23, v4;
	v23 =	vmul.f32 v10, v28;
	v11 =	vld.idx.msk [tilespmem:v11+s14+$0x0], $0xffff  }
0x49: {  	v6 =	vadd.f32 v24, v6;
	v5 =	vadd.f32 v19, v5;
	v10 =	vmul.f32 v10, v10;
	v19 =	vld.idx.msk [tilespmem:v15+s13+$0x0], $0xffff  }
0x4a: {  	v4 =	vadd.f32 v23, v4;
	v23 =	vmul.f32 v8, v22;
	v22 =	vmul.f32 v22, v22;
	v15 =	vld.idx.msk [tilespmem:v15+s14+$0x0], $0xffff  }
0x4b: {  	v6 =	vadd.f32 v25, v6;
	v5 =	vadd.f32 v10, v5;
	v8 =	vmul.f32 v8, v8;
	v10 =	vld.idx.msk [tilespmem:v16+s13+$0x0], $0xffff  }
0x4c: {  	v4 =	vadd.f32 v23, v4;
	v23 =	vmul.f32 v9, v21;
	v21 =	vmul.f32 v21, v21;
	v16 =	vld.idx.msk [tilespmem:v16+s14+$0x0], $0xffff  }
0x4d: {  	v6 =	vadd.f32 v22, v6;
	v5 =	vadd.f32 v8, v5;
	v8 =	vmul.f32 v9, v9;
	v9 =	vld.idx.msk [tilespmem:v12+s13+$0x0], $0xffff  }
0x4e: {  	v4 =	vadd.f32 v23, v4;
	v22 =	vmul.f32 v11, v20;
	v20 =	vmul.f32 v20, v20;
	v12 =	vld.idx.msk [tilespmem:v12+s14+$0x0], $0xffff  }
0x4f: {  	v6 =	vadd.f32 v21, v6;
	v5 =	vadd.f32 v8, v5;
	v8 =	vmul.f32 v11, v11;
	v11 =	vld.idx.msk [tilespmem:v17+s13+$0x0], $0xffff  }
0x50: {  	v4 =	vadd.f32 v22, v4;
	v21 =	vmul.f32 v15, v19;
	v19 =	vmul.f32 v19, v19;
	v17 =	vld.idx.msk [tilespmem:v17+s14+$0x0], $0xffff  }
0x51: {  	v6 =	vadd.f32 v20, v6;
	v5 =	vadd.f32 v8, v5;
	v8 =	vmul.f32 v15, v15;
	v15 =	vld.idx.msk [tilespmem:v18+s13+$0x0], $0xffff  }
0x52: {  	v4 =	vadd.f32 v21, v4;
	v20 =	vmul.f32 v16, v10;
	v10 =	vmul.f32 v10, v10;
	v18 =	vld.idx.msk [tilespmem:v18+s14+$0x0], $0xffff  }
0x53: {  	v6 =	vadd.f32 v19, v6;
	v5 =	vadd.f32 v8, v5;
	v8 =	vmul.f32 v16, v16;
	v16 =	vld.idx.msk [tilespmem:v14+s13+$0x0], $0xffff  }
0x54: {  	v4 =	vadd.f32 v20, v4;
	v19 =	vmul.f32 v12, v9;
	v9 =	vmul.f32 v9, v9;
	v14 =	vld.idx.msk [tilespmem:v14+s14+$0x0], $0xffff  }
0x55: {  	v6 =	vadd.f32 v10, v6;
	v5 =	vadd.f32 v8, v5;
	v8 =	vmul.f32 v12, v12;
	v10 =	vld.idx.msk [tilespmem:v13+s13+$0x0], $0xffff  }
0x56: {  	v4 =	vadd.f32 v19, v4;
	v12 =	vmul.f32 v17, v11;
	v11 =	vmul.f32 v11, v11;
	v13 =	vld.idx.msk [tilespmem:v13+s14+$0x0], $0xffff  }
0x57: {  	v6 =	vadd.f32 v9, v6;
	v5 =	vadd.f32 v8, v5;
	v8 =	vmul.f32 v17, v17;
	v9 =	vld.idx.msk [tilespmem:v7+s13+$0x0], $0xffff  }
0x58: {  	v4 =	vadd.f32 v12, v4;
	v12 =	vmul.f32 v18, v15;
	v15 =	vmul.f32 v15, v15;
	v7 =	vld.idx.msk [tilespmem:v7+s14+$0x0], $0xffff  }
0x59: {  	v6 =	vadd.f32 v11, v6;
	v5 =	vadd.f32 v8, v5;
	v8 =	vmul.f32 v18, v18  }
0x5a: {  	v4 =	vadd.f32 v12, v4;
	v11 =	vmul.f32 v14, v16;
	v12 =	vmul.f32 v16, v16  }
0x5b: {  	v6 =	vadd.f32 v15, v6;
	v5 =	vadd.f32 v8, v5;
	v8 =	vmul.f32 v14, v14  }
0x5c: {  	v4 =	vadd.f32 v11, v4;
	v11 =	vmul.f32 v13, v10;
	v10 =	vmul.f32 v10, v10  }
0x5d: {  	v6 =	vadd.f32 v12, v6;
	v5 =	vadd.f32 v8, v5;
	v8 =	vmul.f32 v13, v13  }
0x5e: {  	v4 =	vadd.f32 v11, v4;
	v11 =	vmul.f32 v7, v9;
	v9 =	vmul.f32 v9, v9  }
0x5f: {  	v6 =	vadd.f32 v10, v6;
	v5 =	vadd.f32 v8, v5;
	v7 =	vmul.f32 v7, v7  }
0x60: {  	v4 =	vadd.f32 v11, v4  }
0x61: {  	s25 =	sadd.s32 $0xFFFFFFFE, s24;
	s26 =	sadd.s32 $0xFFFFFFFF, s24;
	s28 =	sadd.s32 $0xFFFFFFFB, s24;
	v8 =	vmov s24;
	v6 =	vadd.f32 v9, v6;
	v5 =	vadd.f32 v7, v5  }
0x62: {  	s29 =	sadd.s32 $0xFFFFFFFC, s24;
	s30 =	sadd.s32 $0xFFFFFFFD, s24;
	s31 =	sadd.s32 $0xFFFFFFFA, s24;
	v14 =	vmov s25;
	v13 =	vmov s26;
	v7 =	vand.u32 $0x7F, v8  }
.Ltmp0:
0x63: {  	v17 =	vmov s29;
	v18 =	vmov s30;
	s25 =	sadd.s32 $0xFFFFFFF8, s24;
	s26 =	sadd.s32 $0xFFFFFFF9, s24;
	v12 =	vmov s28;
	(pc) =	sbr.rel @p0 .LBB2_3-.Ltmp0, $4  }
0x64: {  	s29 =	sadd.s32 $0xFFFFFFF6, s24;
	s30 =	sadd.s32 $0xFFFFFFF7, s24;
	v16 =	vmov s31;
	s28 =	sadd.s32 $0xFFFFFFF5, s24;
	v15 =	vmov s26;
	v11 =	vmov s25  }
0x65: {  	s31 =	sadd.s32 $0xFFFFFFF4, s24;
	s26 =	sadd.s32 $0xFFFFFFF3, s24;
	v10 =	vmov s28;
	s25 =	sadd.s32 $0xFFFFFFF1, s24;
	v8 =	vmov s29;
	v9 =	vmov s30  }
0x66: {  	v19 =	vmov s31;
	v20 =	vmov s26;
	v21 =	vmov s25;
	s25 =	sadd.s32 $0xFFFFFFF2, s24  }
0x67: {  	v7 =	vbroadcast v7, $0x0;
	s24 =	sadd.s32 $0x10, s24;
	v22 =	vand.u32 $0x70, v21;
	v21 =	vmov s25  }
0x68: {  	v22 =	vbroadcast v22, $0x0  }
0x69: {  	v21 =	vand.u32 $0x71, v21  }
0x6a: {  	v21 =	vbroadcast v21, $0x0;
	v22 =	vor.u32 v3, v22  }
0x6b: {  	v14 =	vand.u32 $0x7D, v14;
	v20 =	vand.u32 $0x72, v20  }
0x6c: {  	v13 =	vand.u32 $0x7E, v13;
	v20 =	vbroadcast v20, $0x0;
	v21 =	vor.u32 v3, v21  }
0x6d: {  	v17 =	vand.u32 $0x7B, v17;
	v18 =	vand.u32 $0x7C, v18;
	v19 =	vand.u32 $0x73, v19  }
0x6e: {  	v12 =	vand.u32 $0x7A, v12;
	v19 =	vbroadcast v19, $0x0;
	v20 =	vor.u32 v3, v20  }
0x6f: {  	v15 =	vand.u32 $0x78, v15;
	v16 =	vand.u32 $0x79, v16;
	v10 =	vand.u32 $0x74, v10;
	v23 =	vld.idx.msk [tilespmem:v22+s13+$0x0], $0xffff  }
0x70: {  	v11 =	vand.u32 $0x77, v11;
	v10 =	vbroadcast v10, $0x0;
	v19 =	vor.u32 v3, v19;
	v22 =	vld.idx.msk [tilespmem:v22+s14+$0x0], $0xffff  }
0x71: {  	v8 =	vand.u32 $0x75, v8;
	v13 =	vbroadcast v13, $0x0;
	v14 =	vbroadcast v14, $0x0;
	v24 =	vld.idx.msk [tilespmem:v21+s13+$0x0], $0xffff  }
0x72: {  	v17 =	vbroadcast v17, $0x0;
	v8 =	vbroadcast v8, $0x0;
	v10 =	vor.u32 v3, v10;
	v21 =	vld.idx.msk [tilespmem:v21+s14+$0x0], $0xffff  }
0x73: {  	v9 =	vand.u32 $0x76, v9;
	v18 =	vbroadcast v18, $0x0;
	v12 =	vbroadcast v12, $0x0;
	v25 =	vld.idx.msk [tilespmem:v20+s13+$0x0], $0xffff  }
0x74: {  	v15 =	vbroadcast v15, $0x0;
	v9 =	vbroadcast v9, $0x0;
	v8 =	vor.u32 v3, v8;
	v20 =	vld.idx.msk [tilespmem:v20+s14+$0x0], $0xffff  }
0x75: {  	v16 =	vbroadcast v16, $0x0;
	v11 =	vbroadcast v11, $0x0;
	v27 =	vld.idx.msk [tilespmem:v19+s13+$0x0], $0xffff  }
0x76: {  	v9 =	vor.u32 v3, v9;
	v19 =	vld.idx.msk [tilespmem:v19+s14+$0x0], $0xffff;
	v26 =	vmul.f32 v23, v23;
	v28 =	vmul.f32 v22, v22  }
0x77: {  	v7 =	vor.u32 v3, v7;
	v11 =	vor.u32 v3, v11;
	v38 =	vld.idx.msk [tilespmem:v10+s13+$0x0], $0xffff;
	v29 =	vmul.f32 v24, v24  }
0x78: {  	v10 =	vld.idx.msk [tilespmem:v10+s14+$0x0], $0xffff;
	v39 =	vmul.f32 v21, v21;
	v6 =	vadd.f32 v26, v6;
	v5 =	vadd.f32 v28, v5  }
0x79: {  	v13 =	vor.u32 v3, v13;
	v15 =	vor.u32 v3, v15;
	v41 =	vld.idx.msk [tilespmem:v8+s13+$0x0], $0xffff;
	v40 =	vmul.f32 v25, v25  }
0x7a: {  	v8 =	vld.idx.msk [tilespmem:v8+s14+$0x0], $0xffff;
	v42 =	vmul.f32 v20, v20;
	v6 =	vadd.f32 v29, v6;
	v5 =	vadd.f32 v39, v5  }
0x7b: {  	v16 =	vor.u32 v3, v16;
	v12 =	vor.u32 v3, v12;
	v44 =	vld.idx.msk [tilespmem:v9+s13+$0x0], $0xffff;
	v43 =	vmul.f32 v27, v27  }
0x7c: {  	v9 =	vld.idx.msk [tilespmem:v9+s14+$0x0], $0xffff;
	v45 =	vmul.f32 v19, v19;
	v6 =	vadd.f32 v40, v6;
	v5 =	vadd.f32 v42, v5  }
0x7d: {  	v17 =	vor.u32 v3, v17;
	v18 =	vor.u32 v3, v18;
	v47 =	vld.idx.msk [tilespmem:v11+s13+$0x0], $0xffff;
	v46 =	vmul.f32 v38, v38  }
0x7e: {  	v11 =	vld.idx.msk [tilespmem:v11+s14+$0x0], $0xffff;
	v48 =	vmul.f32 v10, v10;
	v6 =	vadd.f32 v43, v6;
	v5 =	vadd.f32 v45, v5  }
0x7f: {  	v3 =	vor.u32 v3, v14;
	v50 =	vld.idx.msk [tilespmem:v15+s13+$0x0], $0xffff;
	v22 =	vmul.f32 v22, v23;
	v49 =	vmul.f32 v41, v41  }
0x80: {  	v15 =	vld.idx.msk [tilespmem:v15+s14+$0x0], $0xffff;
	v51 =	vmul.f32 v8, v8;
	v6 =	vadd.f32 v46, v6;
	v5 =	vadd.f32 v48, v5  }
0x81: {  	v53 =	vld.idx.msk [tilespmem:v16+s13+$0x0], $0xffff;
	v21 =	vmul.f32 v21, v24;
	v52 =	vmul.f32 v44, v44;
	v4 =	vadd.f32 v22, v4  }
0x82: {  	v16 =	vld.idx.msk [tilespmem:v16+s14+$0x0], $0xffff;
	v54 =	vmul.f32 v9, v9;
	v6 =	vadd.f32 v49, v6;
	v5 =	vadd.f32 v51, v5  }
0x83: {  	v56 =	vld.idx.msk [tilespmem:v12+s13+$0x0], $0xffff;
	v20 =	vmul.f32 v20, v25;
	v55 =	vmul.f32 v47, v47;
	v4 =	vadd.f32 v21, v4  }
0x84: {  	v12 =	vld.idx.msk [tilespmem:v12+s14+$0x0], $0xffff;
	v57 =	vmul.f32 v11, v11;
	v6 =	vadd.f32 v52, v6;
	v5 =	vadd.f32 v54, v5  }
0x85: {  	v58 =	vld.idx.msk [tilespmem:v17+s13+$0x0], $0xffff;
	v19 =	vmul.f32 v19, v27;
	v59 =	vmul.f32 v50, v50;
	v4 =	vadd.f32 v20, v4  }
0x86: {  	v17 =	vld.idx.msk [tilespmem:v17+s14+$0x0], $0xffff;
	v60 =	vmul.f32 v15, v15;
	v6 =	vadd.f32 v55, v6;
	v5 =	vadd.f32 v57, v5  }
0x87: {  	v62 =	vld.idx.msk [tilespmem:v18+s13+$0x0], $0xffff;
	v10 =	vmul.f32 v10, v38;
	v61 =	vmul.f32 v53, v53;
	v4 =	vadd.f32 v19, v4  }
0x88: {  	v31 =	vld.idx.msk [tilespmem:v3+s13+$0x0], $0xffff;
	v63 =	vmul.f32 v16, v16;
	v6 =	vadd.f32 v59, v6;
	v5 =	vadd.f32 v60, v5  }
0x89: {  	v8 =	vmul.f32 v8, v41;
	v30 =	vmul.f32 v56, v56;
	v29 =	vld.idx.msk [tilespmem:v18+s14+$0x0], $0xffff;
	v4 =	vadd.f32 v10, v4  }
0x8a: {  	v3 =	vld.idx.msk [tilespmem:v3+s14+$0x0], $0xffff;
	v32 =	vmul.f32 v12, v12;
	v6 =	vadd.f32 v61, v6;
	v5 =	vadd.f32 v63, v5  }
0x8b: {  	v35 =	vld.idx.msk [tilespmem:v13+s13+$0x0], $0xffff;
	v33 =	vmul.f32 v9, v44;
	v34 =	vmul.f32 v58, v58;
	v4 =	vadd.f32 v8, v4  }
0x8c: {  	v36 =	vmul.f32 v17, v17;
	v38 =	vld.idx.msk [tilespmem:v13+s14+$0x0], $0xffff;
	v6 =	vadd.f32 v30, v6;
	v5 =	vadd.f32 v32, v5  }
0x8d: {  	v37 =	vmul.f32 v11, v47;
	v39 =	vmul.f32 v62, v62;
	v40 =	vld.idx.msk [tilespmem:v7+s13+$0x0], $0xffff;
	v4 =	vadd.f32 v33, v4  }
0x8e: {  	v7 =	vld.idx.msk [tilespmem:v7+s14+$0x0], $0xffff;
	v41 =	vmul.f32 v29, v29;
	v6 =	vadd.f32 v34, v6;
	v5 =	vadd.f32 v36, v5  }
0x8f: {  	v44 =	vmul.f32 v3, v3;
	v42 =	vmul.f32 v15, v50;
	v4 =	vadd.f32 v37, v4  }
0x90: {  	v43 =	vmul.f32 v31, v31;
	v6 =	vadd.f32 v39, v6;
	v5 =	vadd.f32 v41, v5  }
0x91: {  	v47 =	vmul.f32 v38, v38;
	v45 =	vmul.f32 v16, v53;
	v4 =	vadd.f32 v42, v4  }
0x92: {  	v46 =	vmul.f32 v35, v35;
	v6 =	vadd.f32 v43, v6;
	v5 =	vadd.f32 v44, v5  }
0x93: {  	v48 =	vmul.f32 v12, v56;
	v50 =	vmul.f32 v7, v7;
	v4 =	vadd.f32 v45, v4  }
0x94: {  	v49 =	vmul.f32 v40, v40;
	v6 =	vadd.f32 v46, v6;
	v5 =	vadd.f32 v47, v5  }
0x95: {  	v51 =	vmul.f32 v17, v58;
	v4 =	vadd.f32 v48, v4  }
0x96: {  	v6 =	vadd.f32 v49, v6;
	v5 =	vadd.f32 v50, v5  }
0x97: {  	v4 =	vadd.f32 v51, v4  }
0x98: {  	v52 =	vmul.f32 v29, v62;
	v53 =	vsub.f32 $1.000000000e+00, v6;
	v54 =	vsub.f32 $1.000000000e+00, v5;
	_ =	sdelay $0x1  }
0x99: {  	v3 =	vmul.f32 v3, v31;
	v4 =	vadd.f32 v52, v4;
	v55 =	vmul.f32 v54, v53;
	_ =	sdelay $0x1  }
0x9a: {  	v56 =	vmul.f32 v38, v35;
	v3 =	vadd.f32 v3, v4;
	v8 =	vadd.f32 $9.999999740e-06, v55;
	_ =	sdelay $0x1  }
0x9b: {  	v57 =	vmul.f32 v7, v40;
	v3 =	vadd.f32 v56, v3;
	(erf) = vrcp.f32 v8;
	_ =	sdelay $0x1  }
0x9c: {  	v3 =	vadd.f32 v57, v3;
	_ =	sdelay $0x1  }
0x9d: {  	v58 =	vadd.f32 v5, v6;
	v3 =	vadd.f32 v3, v3;
	_ =	sdelay $0x1  }
0x9e: {  	v3 =	vsub.f32 v58, v3;
	_ =	sdelay $0x1  }
0x9f: {  	v3 =	vadd.f32 v3, v3  }
0xa0: {  	v59 =	vpop (erf)  }
0xa1: {  	v3 =	vmul.f32 v59, v3;
	_ =	sdelay $0x1  }
0xa2: {  	v3 =	vadd.f32 $1.000000000e+00, v3;
	_ =	sdelay $0x1  }
0xa3: {  	v3 =	vmax.f32 v3, $1.000010010e+00  }
0xa4: {  	v60 =	vadd.f32 $-1.000000000e+00, v3;
	v61 =	vadd.f32 $1.000000000e+00, v3;
	_ =	sdelay $0x1  }
0xa5: {  	v4 =	vmul.f32 v61, v60;
	_ =	sdelay $0x1  }
0xa6: {  	v5 =	vshrl.u32 v4, $0x1;
	v62 =	vmul.f32 $5.000000000e-01, v4  }
0xa7: {  	v5 =	vsub.s32 $0x5F3759DF, v5  }
0xa8: {  	v63 =	vmul.f32 v5, v62;
	_ =	sdelay $0x1  }
0xa9: {  	v8 =	vmul.f32 v5, v63;
	_ =	sdelay $0x1  }
0xaa: {  	v8 =	vsub.f32 $1.500000000e+00, v8;
	_ =	sdelay $0x1  }
0xab: {  	v5 =	vmul.f32 v5, v8;
	_ =	sdelay $0x1  }
0xac: {  	v8 =	vmul.f32 v5, v62;
	_ =	sdelay $0x1  }
0xad: {  	v8 =	vmul.f32 v8, v5;
	_ =	sdelay $0x1  }
0xae: {  	v8 =	vsub.f32 $1.500000000e+00, v8;
	_ =	sdelay $0x1  }
0xaf: {  	v5 =	vmul.f32 v8, v5;
	_ =	sdelay $0x1  }
0xb0: {  	v7 =	vmul.f32 v5, v62;
	_ =	sdelay $0x1  }
0xb1: {  	v7 =	vmul.f32 v7, v5;
	_ =	sdelay $0x1  }
0xb2: {  	v7 =	vsub.f32 $1.500000000e+00, v7;
	_ =	sdelay $0x1  }
0xb3: {  	v5 =	vmul.f32 v7, v5;
	_ =	sdelay $0x1  }
0xb4: {  	v4 =	vmul.f32 v5, v4;
	_ =	sdelay $0x1  }
0xb5: {  	v3 =	vadd.f32 v4, v3;
	_ =	sdelay $0x1  }
0xb6: {  	(erf) = vrcp.f32 v3;
	_ =	sdelay $0x3  }
0xb7: {  	s22 =	sadd.s32 $0x1, s22  }
0xb8: {  	p0 =	sne.s32 s22, $0x8  }
.Ltmp1:
0xb9: {  	_ = 	snop;
	(pc) =	sbr.rel @p0 .LBB2_2-.Ltmp1, $3  }
0xba: {  	_ =	sdelay $0x1  }
0xbb: {  	[tilespmem:s23+$0x17100] =	vst v6;
	v3 =	vpop (erf)  }
0xbc: {  	[tilespmem:s23+$0x17200] =	vst v3  }
0xbd: {  	s22 =	simm.s32 $0x0  }
0xbe: {  	[hbm4b:s7+s22] =	stream.linear.scatter [tilespmem:s18], [sflag:$0x3], $0x80, $0x38;
	[tilespmem:$0x17380] =	vst v63  }
0xbf: {  	_ =	swait.ge [sflag:s10], $0x80  }
0xc0: {  	[sflag:s10] =	ssyncset.done $0x0  }
0xc1: {  	[sflag:s10] =	ssyncadd.s32 $0xFFFFFF80  }
.LBB2_7:
0xc2: {  	s23 =	smov.u32 s22  }
0xc3: {  	_ =	swait.ge [sflag:s19], $0x3400;
	s22 =	sadd.s32 $0x1, s22;
	p0 =	seq.s32 s23, $0xFF  }
0xc4: {  	s24 =	sshrl.u32 s23, $0x1;
	[sflag:s19] =	ssyncset.done $0x0;
	s25 =	sand.u32 @!p0 $0x1, s22  }
0xc5: {  	[sflag:s19] =	ssyncadd.s32 $0xFFFFCC00;
	p1 =	seq.s32 @!p0 s25, $0x1;
	s25 =	sshll.u32 @!p0 s22, $0x7  }
0xc6: {  	s26 =	simm.s32 @!p0 $0x13900;
	p1 =	por !p1, p0;
	s25 =	sand.u32 @!p0 $0x3FFFFF80, s25  }
0xc7: {  	s28 =	simm.s32 @!p0 $0x68;
	s26 =	simm.s32 @p1 $0x10100;
	s25 =	sadd.s32 @!p0 $0x100, s25  }
0xc8: {  	[tilespmem:s26], [sflag:$0x1] =	stream.indirect.gather @!p0 [hbm4b:s1+s28], $0x80, s25, s28, $0xb8;
	[tilespmem:$0x17380] =	vst v63  }
0xc9: {  	v4 =	vld [tilespmem:s24+$0x17100];
	_ =	sdelay $0x4  }
0xca: {  	(v2sf) =	vpush v4, $0x0;
	_ =	sdelay $0xd  }
0xcb: {  	s29 =	sand.u32 $0x1, s23  }
0xcc: {  	v3 =	vmov s29;
	s30 =	spop (v2sf)  }
0xcd: {  	s23 =	sshll.u32 s23, $0x6;
	v3 =	vmul.u32 $0x3800, v3;
	s31 =	ssub.f32 $1.000000000e+00, s30  }
0xce: {  	s23 =	sand.u32 $0x3FFFFF80, s23  }
0xcf: {  	s23 =	sadd.s32 $0x8100, s23;
	v3 =	vbroadcast v3, $0x0;
	s24 =	simm.s32 $0x0;
	v4 =	vbroadcast v4, $0x0;
	v5 =	vmov s31  }
.LBB2_8:
0xd0: {  	s25 =	sshll.u32 s24, $0x4;
	s26 =	simm.s32 $0xF;
	s0 =	simm.s32 $0xE;
	v9 =	vimm.f32 $0.0e+00  }
0xd1: {  	s2 =	simm.s32 $0xD;
	s28 =	simm.s32 $0xB;
	s29 =	simm.s32 $0x5;
	v6 =	vor.u32 s25, v0;
	v8 =	vmov s26;
	v10 =	vmov s0  }
0xd2: {  	s26 =	simm.s32 $0xC;
	v11 =	vmov s2;
	v13 =	vmov s28;
	v19 =	vmov s29  }
0xd3: {  	s0 =	simm.s32 $0x9;
	s2 =	simm.s32 $0xA;
	s28 =	simm.s32 $0x6;
	v7 =	vshll.u32 v6, $0x7;
	v8 =	vand.u32 $0x7F, v8;
	v12 =	vmov s26  }
0xd4: {  	s29 =	simm.s32 $0x2;
	v14 =	vmov s0;
	v15 =	vmov s2;
	v16 =	vmov s28  }
0xd5: {  	s26 =	simm.s32 $0x0;
	v24 =	vmov s29;
	v11 =	vand.u32 $0x7D, v11;
	v10 =	vand.u32 $0x7E, v10  }
0xd6: {  	s2 =	simm.s32 $0x8;
	v13 =	vand.u32 $0x7B, v13;
	v19 =	vand.u32 $0x75, v19;
	v20 =	vmov s26  }
0xd7: {  	s0 =	simm.s32 $0x7;
	v7 =	vadd.s32 v3, v7;
	v18 =	vmov s2;
	s2 =	simm.s32 $0x1;
	v20 =	vand.u32 $0x70, v20  }
0xd8: {  	s28 =	simm.s32 $0x4;
	v17 =	vmov s0;
	v23 =	vmov s2;
	v20 =	vbroadcast v20, $0x0  }
0xd9: {  	v22 =	vmov s28;
	v8 =	vbroadcast v8, $0x0;
	v23 =	vand.u32 $0x71, v23  }
0xda: {  	v24 =	vand.u32 $0x72, v24;
	v23 =	vbroadcast v23, $0x0;
	v20 =	vor.u32 v7, v20  }
0xdb: {  	s0 =	simm.s32 $0x3;
	v12 =	vand.u32 $0x7C, v12;
	v14 =	vand.u32 $0x79, v14;
	v15 =	vand.u32 $0x7A, v15  }
0xdc: {  	v21 =	vmov s0;
	v24 =	vbroadcast v24, $0x0;
	v23 =	vor.u32 v7, v23  }
0xdd: {  	v25 =	vld [tilespmem:s23+$0x0];
	v10 =	vbroadcast v10, $0x0;
	v11 =	vbroadcast v11, $0x0;
	v21 =	vand.u32 $0x73, v21  }
0xde: {  	v13 =	vbroadcast v13, $0x0;
	v24 =	vor.u32 v7, v24;
	v21 =	vbroadcast v21, $0x0  }
0xdf: {  	v19 =	vbroadcast v19, $0x0;
	v16 =	vand.u32 $0x76, v16;
	v22 =	vand.u32 $0x74, v22;
	v20 =	vld.idx.msk [tilespmem:v20+s16+$0x0], $0xffff  }
0xe0: {  	v12 =	vbroadcast v12, $0x0;
	v22 =	vbroadcast v22, $0x0;
	v21 =	vor.u32 v7, v21  }
0xe1: {  	v18 =	vand.u32 $0x78, v18;
	v15 =	vbroadcast v15, $0x0;
	v14 =	vbroadcast v14, $0x0;
	v23 =	vld.idx.msk [tilespmem:v23+s16+$0x0], $0xffff  }
0xe2: {  	v16 =	vbroadcast v16, $0x0;
	v26 =	vbroadcast v25, $0x0;
	v22 =	vor.u32 v7, v22  }
0xe3: {  	v17 =	vand.u32 $0x77, v17;
	v18 =	vbroadcast v18, $0x0;
	v28 =	vbroadcast v25, $0x1;
	v24 =	vld.idx.msk [tilespmem:v24+s16+$0x0], $0xffff  }
0xe4: {  	v19 =	vor.u32 v7, v19;
	v26 =	vmul.f32 v26, v20;
	v20 =	vmul.f32 v20, v20  }
0xe5: {  	v17 =	vbroadcast v17, $0x0;
	v30 =	vbroadcast v25, $0x2;
	v16 =	vor.u32 v7, v16;
	v21 =	vld.idx.msk [tilespmem:v21+s16+$0x0], $0xffff  }
0xe6: {  	v26 =	vadd.f32 v26, v9;
	v9 =	vadd.f32 v20, v9;
	v20 =	vmul.f32 v23, v28  }
0xe7: {  	v59 =	vbroadcast v25, $0x3;
	v17 =	vor.u32 v7, v17;
	v22 =	vld.idx.msk [tilespmem:v22+s16+$0x0], $0xffff;
	v29 =	vmul.f32 v23, v23  }
0xe8: {  	v23 =	vmul.f32 v24, v24;
	v24 =	vmul.f32 v24, v30;
	v20 =	vadd.f32 v20, v26  }
0xe9: {  	v61 =	vbroadcast v25, $0x4;
	v18 =	vor.u32 v7, v18;
	v19 =	vld.idx.msk [tilespmem:v19+s16+$0x0], $0xffff;
	v9 =	vadd.f32 v29, v9  }
0xea: {  	v16 =	vld.idx.msk [tilespmem:v16+s16+$0x0], $0xffff;
	v60 =	vmul.f32 v21, v21;
	v21 =	vmul.f32 v21, v59;
	v20 =	vadd.f32 v24, v20  }
0xeb: {  	v62 =	vbroadcast v25, $0x5;
	v14 =	vor.u32 v7, v14;
	v9 =	vadd.f32 v23, v9  }
0xec: {  	v63 =	vbroadcast v25, $0x6;
	v20 =	vadd.f32 v21, v20;
	v21 =	vmul.f32 v22, v61  }
0xed: {  	v15 =	vor.u32 v7, v15;
	v17 =	vld.idx.msk [tilespmem:v17+s16+$0x0], $0xffff;
	v23 =	vmul.f32 v22, v22;
	v9 =	vadd.f32 v60, v9  }
0xee: {  	v22 =	vmul.f32 v19, v19;
	v19 =	vmul.f32 v19, v62;
	v20 =	vadd.f32 v21, v20  }
0xef: {  	v13 =	vor.u32 v7, v13;
	v18 =	vld.idx.msk [tilespmem:v18+s16+$0x0], $0xffff;
	v9 =	vadd.f32 v23, v9;
	v21 =	vmul.f32 v16, v16  }
0xf0: {  	v14 =	vld.idx.msk [tilespmem:v14+s16+$0x0], $0xffff;
	v23 =	vbroadcast v25, $0x7;
	v16 =	vmul.f32 v16, v63;
	v19 =	vadd.f32 v19, v20  }
0xf1: {  	v11 =	vor.u32 v7, v11;
	v12 =	vor.u32 v7, v12;
	v9 =	vadd.f32 v22, v9  }
0xf2: {  	v15 =	vld.idx.msk [tilespmem:v15+s16+$0x0], $0xffff;
	v20 =	vmul.f32 v17, v17;
	v17 =	vmul.f32 v17, v23;
	v16 =	vadd.f32 v16, v19  }
0xf3: {  	v22 =	vbroadcast v25, $0x8;
	v23 =	vor.u32 v7, v10;
	v9 =	vadd.f32 v21, v9  }
0xf4: {  	v19 =	vmul.f32 v18, v18;
	v21 =	vbroadcast v25, $0x9;
	v10 =	vadd.f32 v17, v16  }
0xf5: {  	s25 =	simm.s32 $0x1F;
	v13 =	vld.idx.msk [tilespmem:v13+s16+$0x0], $0xffff;
	v9 =	vadd.f32 v20, v9;
	v16 =	vmul.f32 v18, v22;
	v17 =	vmul.f32 v14, v14  }
0xf6: {  	v27 =	vmov s25;
	v18 =	vbroadcast v25, $0xA;
	v22 =	vld.idx.msk [tilespmem:v12+s16+$0x0], $0xffff;
	v12 =	vmul.f32 v14, v21  }
0xf7: {  	v14 =	vmul.f32 v15, v15;
	v10 =	vadd.f32 v16, v10;
	v9 =	vadd.f32 v19, v9  }
0xf8: {  	v20 =	vor.u32 v7, v8;
	v21 =	vbroadcast v25, $0xD;
	v16 =	vbroadcast v25, $0xB  }
0xf9: {  	v11 =	vld.idx.msk [tilespmem:v11+s16+$0x0], $0xffff;
	v15 =	vmul.f32 v15, v18;
	v12 =	vadd.f32 v12, v10;
	v9 =	vadd.f32 v17, v9  }
0xfa: {  	v8 =	vand.u32 $0x7F, v27;
	v18 =	vbroadcast v25, $0xC;
	v17 =	vmul.f32 v13, v13  }
0xfb: {  	s0 =	simm.s32 $0x1E;
	s2 =	simm.s32 $0x1D;
	v19 =	vld.idx.msk [tilespmem:v23+s16+$0x0], $0xffff;
	v13 =	vmul.f32 v13, v16;
	v15 =	vadd.f32 v15, v12;
	v9 =	vadd.f32 v14, v9  }
0xfc: {  	v10 =	vmov s0;
	v16 =	vmul.f32 v22, v22;
	v12 =	vmov s2  }
0xfd: {  	s0 =	simm.s32 $0x1C;
	v20 =	vld.idx.msk [tilespmem:v20+s16+$0x0], $0xffff;
	v13 =	vadd.f32 v13, v15;
	v9 =	vadd.f32 v17, v9;
	v15 =	vmul.f32 v22, v18  }
0xfe: {  	v14 =	vmov s0;
	v17 =	vmul.f32 v11, v11;
	v18 =	vbroadcast v25, $0xE  }
0xff: {  	s2 =	simm.s32 $0x1B;
	v11 =	vmul.f32 v11, v21;
	v13 =	vadd.f32 v15, v13;
	v9 =	vadd.f32 v16, v9  }
0x100: {  	v21 =	vmul.f32 v19, v19;
	v22 =	vbroadcast v25, $0xF;
	v16 =	vmov s2  }
0x101: {  	s28 =	simm.s32 $0x1A;
	s0 =	simm.s32 $0x19;
	v13 =	vadd.f32 v11, v13;
	v9 =	vadd.f32 v17, v9;
	v17 =	vmul.f32 v19, v18  }
0x102: {  	v15 =	vmov s0;
	v23 =	vmul.f32 v20, v20;
	v11 =	vmov s28  }
0x103: {  	s30 =	simm.s32 $0x18;
	s2 =	simm.s32 $0x16;
	s28 =	simm.s32 $0x17;
	v13 =	vadd.f32 v17, v13;
	v21 =	vadd.f32 v21, v9;
	v9 =	vmul.f32 v20, v22  }
0x104: {  	s31 =	simm.s32 $0x10;
	s29 =	simm.s32 $0x14;
	s0 =	simm.s32 $0x15;
	v18 =	vmov s30;
	v19 =	vmov s28;
	v17 =	vmov s2  }
0x105: {  	s26 =	smov.u32 s23;
	s30 =	simm.s32 $0x13;
	s28 =	simm.s32 $0x2F;
	v20 =	vmov s0;
	v9 =	vadd.f32 v9, v13;
	v13 =	vadd.f32 v23, v21  }
.LBB2_9:
0x106: {  	p0 =	sne.s32 s28, $0x7F;
	v21 =	vmov s31;
	s0 =	sadd.s32 $0xFFFFFFF2, s25;
	s25 =	sadd.s32 $0xFFFFFFF3, s25;
	v22 =	vmov s30;
	v23 =	vmov s29  }
0x107: {  	v21 =	vand.u32 $0x70, v21;
	v24 =	vmov s0;
	v25 =	vmov s25;
	s25 =	smov.u32 s28  }
0x108: {  	v8 =	vbroadcast v8, $0x0;
	v21 =	vbroadcast v21, $0x0;
	v24 =	vand.u32 $0x71, v24  }
0x109: {  	v12 =	vand.u32 $0x7D, v12;
	v10 =	vand.u32 $0x7E, v10;
	v24 =	vbroadcast v24, $0x0  }
0x10a: {  	v14 =	vand.u32 $0x7C, v14;
	v25 =	vand.u32 $0x72, v25;
	v21 =	vor.u32 v7, v21  }
0x10b: {  	v16 =	vand.u32 $0x7B, v16;
	v25 =	vbroadcast v25, $0x0;
	v24 =	vor.u32 v7, v24  }
0x10c: {  	v15 =	vand.u32 $0x79, v15;
	v26 =	vand.u32 $0x7A, v11;
	v22 =	vand.u32 $0x73, v22  }
0x10d: {  	v18 =	vand.u32 $0x78, v18;
	s26 =	sadd.s32 $0x10, s26;
	v22 =	vbroadcast v22, $0x0;
	v25 =	vor.u32 v7, v25  }
0x10e: {  	v19 =	vand.u32 $0x77, v19;
	v23 =	vand.u32 $0x74, v23;
	v10 =	vbroadcast v10, $0x0;
	v11 =	vld [tilespmem:s26+$0x0]  }
0x10f: {  	v12 =	vbroadcast v12, $0x0;
	v23 =	vbroadcast v23, $0x0;
	v22 =	vor.u32 v7, v22;
	v21 =	vld.idx.msk [tilespmem:v21+s16+$0x0], $0xffff  }
0x110: {  	v20 =	vand.u32 $0x75, v20;
	v16 =	vbroadcast v16, $0x0;
	v14 =	vbroadcast v14, $0x0;
	v24 =	vld.idx.msk [tilespmem:v24+s16+$0x0], $0xffff  }
0x111: {  	v20 =	vbroadcast v20, $0x0;
	v26 =	vbroadcast v26, $0x0;
	v23 =	vor.u32 v7, v23  }
0x112: {  	v17 =	vand.u32 $0x76, v17;
	v18 =	vbroadcast v18, $0x0;
	v15 =	vbroadcast v15, $0x0;
	v25 =	vld.idx.msk [tilespmem:v25+s16+$0x0], $0xffff  }
0x113: {  	v17 =	vbroadcast v17, $0x0;
	v20 =	vor.u32 v7, v20;
	v27 =	vbroadcast v11, $0x0  }
0x114: {  	v28 =	vmov s28;
	v19 =	vbroadcast v19, $0x0;
	v29 =	vbroadcast v11, $0x1;
	v22 =	vld.idx.msk [tilespmem:v22+s16+$0x0], $0xffff  }
0x115: {  	v17 =	vor.u32 v7, v17;
	v27 =	vmul.f32 v27, v21;
	v21 =	vmul.f32 v21, v21  }
0x116: {  	v19 =	vor.u32 v7, v19;
	v31 =	vbroadcast v11, $0x2;
	v30 =	vmul.f32 v24, v24;
	v23 =	vld.idx.msk [tilespmem:v23+s16+$0x0], $0xffff  }
0x117: {  	v9 =	vadd.f32 v27, v9;
	v13 =	vadd.f32 v21, v13;
	v21 =	vmul.f32 v24, v29  }
0x118: {  	v18 =	vor.u32 v7, v18;
	v24 =	vmul.f32 v25, v25;
	v27 =	vbroadcast v11, $0x3;
	v20 =	vld.idx.msk [tilespmem:v20+s16+$0x0], $0xffff  }
0x119: {  	v9 =	vadd.f32 v21, v9;
	v13 =	vadd.f32 v30, v13;
	v21 =	vmul.f32 v25, v31  }
0x11a: {  	v15 =	vor.u32 v7, v15;
	v29 =	vbroadcast v11, $0x4;
	v25 =	vmul.f32 v22, v22;
	v17 =	vld.idx.msk [tilespmem:v17+s16+$0x0], $0xffff  }
0x11b: {  	v9 =	vadd.f32 v21, v9;
	v13 =	vadd.f32 v24, v13;
	v21 =	vmul.f32 v22, v27  }
0x11c: {  	v26 =	vor.u32 v7, v26;
	v22 =	vmul.f32 v23, v23;
	v24 =	vbroadcast v11, $0x5;
	v19 =	vld.idx.msk [tilespmem:v19+s16+$0x0], $0xffff  }
0x11d: {  	v9 =	vadd.f32 v21, v9;
	v13 =	vadd.f32 v25, v13;
	v21 =	vmul.f32 v23, v29  }
0x11e: {  	v16 =	vor.u32 v7, v16;
	v23 =	vmul.f32 v20, v20;
	v25 =	vbroadcast v11, $0x6;
	v18 =	vld.idx.msk [tilespmem:v18+s16+$0x0], $0xffff  }
0x11f: {  	v20 =	vmul.f32 v20, v24;
	v9 =	vadd.f32 v21, v9;
	v13 =	vadd.f32 v22, v13  }
0x120: {  	v14 =	vor.u32 v7, v14;
	v21 =	vmul.f32 v17, v17;
	v22 =	vbroadcast v11, $0x7;
	v15 =	vld.idx.msk [tilespmem:v15+s16+$0x0], $0xffff  }
0x121: {  	v17 =	vmul.f32 v17, v25;
	v9 =	vadd.f32 v20, v9;
	v13 =	vadd.f32 v23, v13  }
0x122: {  	v12 =	vor.u32 v7, v12;
	v20 =	vmul.f32 v19, v19;
	v23 =	vbroadcast v11, $0x8;
	v24 =	vld.idx.msk [tilespmem:v26+s16+$0x0], $0xffff  }
0x123: {  	v9 =	vadd.f32 v17, v9;
	v13 =	vadd.f32 v21, v13;
	v17 =	vmul.f32 v19, v22  }
0x124: {  	v19 =	vmul.f32 v18, v18;
	v21 =	vbroadcast v11, $0x9;
	v22 =	vor.u32 v7, v10;
	v16 =	vld.idx.msk [tilespmem:v16+s16+$0x0], $0xffff  }
0x125: {  	v9 =	vadd.f32 v17, v9;
	v10 =	vadd.f32 v20, v13;
	v13 =	vmul.f32 v18, v23  }
0x126: {  	v17 =	vmul.f32 v15, v15;
	v18 =	vbroadcast v11, $0xA;
	v20 =	vor.u32 v7, v8;
	v14 =	vld.idx.msk [tilespmem:v14+s16+$0x0], $0xffff  }
0x127: {  	v9 =	vadd.f32 v13, v9;
	v10 =	vadd.f32 v19, v10;
	v13 =	vmul.f32 v15, v21  }
0x128: {  	v8 =	vand.u32 $0x7F, v28;
	v15 =	vmul.f32 v24, v24;
	v19 =	vbroadcast v11, $0xB;
	v21 =	vld.idx.msk [tilespmem:v12+s16+$0x0], $0xffff  }
0x129: {  	s0 =	sadd.s32 $0xFFFFFFFF, s28;
	v9 =	vadd.f32 v13, v9;
	v12 =	vadd.f32 v17, v10;
	v13 =	vmul.f32 v24, v18  }
0x12a: {  	v10 =	vmov s0;
	v17 =	vmul.f32 v16, v16;
	v18 =	vbroadcast v11, $0xC;
	v22 =	vld.idx.msk [tilespmem:v22+s16+$0x0], $0xffff  }
0x12b: {  	s0 =	sadd.s32 $0xFFFFFFFE, s28;
	v9 =	vadd.f32 v13, v9;
	v13 =	vadd.f32 v15, v12;
	v15 =	vmul.f32 v16, v19  }
0x12c: {  	v12 =	vmov s0;
	v16 =	vmul.f32 v14, v14;
	v19 =	vbroadcast v11, $0xD;
	v20 =	vld.idx.msk [tilespmem:v20+s16+$0x0], $0xffff  }
0x12d: {  	s0 =	sadd.s32 $0xFFFFFFFD, s28;
	v9 =	vadd.f32 v15, v9;
	v13 =	vadd.f32 v17, v13;
	v15 =	vmul.f32 v14, v18  }
0x12e: {  	v14 =	vmov s0;
	v17 =	vmul.f32 v21, v21;
	v18 =	vbroadcast v11, $0xE  }
0x12f: {  	s0 =	sadd.s32 $0xFFFFFFFC, s28;
	v9 =	vadd.f32 v15, v9;
	v13 =	vadd.f32 v16, v13;
	v15 =	vmul.f32 v21, v19  }
0x130: {  	v16 =	vmov s0;
	v19 =	vmul.f32 v22, v22;
	v21 =	vbroadcast v11, $0xF  }
.Ltmp2:
0x131: {  	s29 =	sadd.s32 $0xFFFFFFFB, s28;
	s0 =	sadd.s32 $0xFFFFFFFA, s28;
	v9 =	vadd.f32 v15, v9;
	v13 =	vadd.f32 v17, v13;
	v17 =	vmul.f32 v22, v18;
	(pc) =	sbr.rel @p0 .LBB2_9-.Ltmp2, $4  }
0x132: {  	v11 =	vmov s29;
	v15 =	vmov s0;
	v22 =	vmul.f32 v20, v20  }
0x133: {  	s30 =	sadd.s32 $0xFFFFFFF8, s28;
	s31 =	sadd.s32 $0xFFFFFFF9, s28;
	s0 =	sadd.s32 $0xFFFFFFF7, s28;
	v21 =	vmul.f32 v20, v21;
	v9 =	vadd.f32 v17, v9;
	v13 =	vadd.f32 v19, v13  }
0x134: {  	s2 =	sadd.s32 $0xFFFFFFF6, s28;
	s29 =	sadd.s32 $0xFFFFFFF5, s28;
	v18 =	vmov s31;
	v17 =	vmov s0;
	v19 =	vmov s30  }
0x135: {  	s31 =	sadd.s32 $0xFFFFFFF1, s25;
	v20 =	vmov s2;
	s28 =	sadd.s32 $0x10, s28;
	s30 =	sadd.s32 $0xFFFFFFF4, s25;
	v9 =	vadd.f32 v21, v9;
	v13 =	vadd.f32 v22, v13  }
0x136: {  	v21 =	vmov s31  }
0x137: {  	s0 =	sadd.s32 $0xFFFFFFF2, s25;
	v21 =	vand.u32 $0x70, v21  }
0x138: {  	v22 =	vmov s0;
	v21 =	vbroadcast v21, $0x0  }
0x139: {  	s28 =	sadd.s32 $0xFFFFFFF3, s25;
	v22 =	vand.u32 $0x71, v22  }
0x13a: {  	v23 =	vmov s28;
	v22 =	vbroadcast v22, $0x0;
	v21 =	vor.u32 v7, v21  }
0x13b: {  	v23 =	vand.u32 $0x72, v23  }
0x13c: {  	v24 =	vmov s30;
	v23 =	vbroadcast v23, $0x0;
	v22 =	vor.u32 v7, v22  }
0x13d: {  	v24 =	vand.u32 $0x73, v24  }
0x13e: {  	v25 =	vmov s29;
	v24 =	vbroadcast v24, $0x0;
	v23 =	vor.u32 v7, v23  }
0x13f: {  	v25 =	vand.u32 $0x74, v25;
	v21 =	vld.idx.msk [tilespmem:v21+s16+$0x0], $0xffff  }
0x140: {  	v25 =	vbroadcast v25, $0x0;
	v24 =	vor.u32 v7, v24  }
0x141: {  	v8 =	vbroadcast v8, $0x0;
	v12 =	vand.u32 $0x7D, v12;
	v20 =	vand.u32 $0x75, v20;
	v22 =	vld.idx.msk [tilespmem:v22+s16+$0x0], $0xffff  }
0x142: {  	v17 =	vand.u32 $0x76, v17;
	v20 =	vbroadcast v20, $0x0;
	v25 =	vor.u32 v7, v25  }
0x143: {  	v10 =	vand.u32 $0x7E, v10;
	v14 =	vand.u32 $0x7C, v14;
	v17 =	vbroadcast v17, $0x0;
	v23 =	vld.idx.msk [tilespmem:v23+s16+$0x0], $0xffff  }
0x144: {  	v19 =	vand.u32 $0x77, v19;
	v20 =	vor.u32 v7, v20;
	v26 =	vmul.f32 v21, v21  }
0x145: {  	v16 =	vand.u32 $0x7B, v16;
	s31 =	sadd.s32 $0x10, s26;
	v19 =	vbroadcast v19, $0x0;
	v17 =	vor.u32 v7, v17;
	v24 =	vld.idx.msk [tilespmem:v24+s16+$0x0], $0xffff  }
0x146: {  	v18 =	vand.u32 $0x78, v18;
	v27 =	vld [tilespmem:s31+$0x0];
	v28 =	vmul.f32 v22, v22;
	v13 =	vadd.f32 v26, v13  }
0x147: {  	v15 =	vand.u32 $0x79, v15;
	v18 =	vbroadcast v18, $0x0;
	v19 =	vor.u32 v7, v19;
	v25 =	vld.idx.msk [tilespmem:v25+s16+$0x0], $0xffff  }
0x148: {  	v11 =	vand.u32 $0x7A, v11;
	v56 =	vmul.f32 v23, v23;
	v13 =	vadd.f32 v28, v13  }
0x149: {  	v10 =	vbroadcast v10, $0x0;
	v15 =	vbroadcast v15, $0x0;
	v18 =	vor.u32 v7, v18;
	v20 =	vld.idx.msk [tilespmem:v20+s16+$0x0], $0xffff  }
0x14a: {  	v12 =	vbroadcast v12, $0x0;
	v17 =	vld.idx.msk [tilespmem:v17+s16+$0x0], $0xffff;
	v57 =	vmul.f32 v24, v24;
	v13 =	vadd.f32 v56, v13  }
0x14b: {  	v16 =	vbroadcast v16, $0x0;
	v11 =	vbroadcast v11, $0x0;
	v15 =	vor.u32 v7, v15  }
0x14c: {  	v58 =	vbroadcast v27, $0x0;
	v19 =	vld.idx.msk [tilespmem:v19+s16+$0x0], $0xffff;
	v29 =	vmul.f32 v25, v25;
	v13 =	vadd.f32 v57, v13  }
0x14d: {  	v14 =	vbroadcast v14, $0x0;
	v11 =	vor.u32 v7, v11;
	v59 =	vbroadcast v27, $0x1  }
0x14e: {  	v18 =	vld.idx.msk [tilespmem:v18+s16+$0x0], $0xffff;
	v60 =	vmul.f32 v20, v20;
	v21 =	vmul.f32 v58, v21;
	v13 =	vadd.f32 v29, v13  }
0x14f: {  	v16 =	vor.u32 v7, v16;
	v61 =	vbroadcast v27, $0x2;
	v63 =	vmul.f32 v17, v17  }
0x150: {  	v15 =	vld.idx.msk [tilespmem:v15+s16+$0x0], $0xffff;
	v62 =	vmul.f32 v22, v59;
	v9 =	vadd.f32 v21, v9;
	v13 =	vadd.f32 v60, v13  }
0x151: {  	v14 =	vor.u32 v7, v14;
	v31 =	vmul.f32 v19, v19;
	v30 =	vmul.f32 v23, v61  }
0x152: {  	v28 =	vbroadcast v27, $0x3;
	v9 =	vadd.f32 v62, v9;
	v13 =	vadd.f32 v63, v13  }
0x153: {  	v12 =	vor.u32 v7, v12;
	v32 =	vbroadcast v27, $0x4;
	v11 =	vld.idx.msk [tilespmem:v11+s16+$0x0], $0xffff;
	v34 =	vmul.f32 v18, v18  }
0x154: {  	v9 =	vadd.f32 v30, v9;
	v33 =	vmul.f32 v24, v28;
	v13 =	vadd.f32 v31, v13  }
0x155: {  	v10 =	vor.u32 v7, v10;
	v35 =	vbroadcast v27, $0x5;
	v16 =	vld.idx.msk [tilespmem:v16+s16+$0x0], $0xffff;
	v37 =	vmul.f32 v15, v15  }
0x156: {  	v36 =	vmul.f32 v25, v32;
	v9 =	vadd.f32 v33, v9;
	v13 =	vadd.f32 v34, v13  }
0x157: {  	v7 =	vor.u32 v7, v8;
	v38 =	vbroadcast v27, $0x6;
	v14 =	vld.idx.msk [tilespmem:v14+s16+$0x0], $0xffff;
	v20 =	vmul.f32 v20, v35  }
0x158: {  	v12 =	vld.idx.msk [tilespmem:v12+s16+$0x0], $0xffff;
	v8 =	vmul.f32 v11, v11;
	v9 =	vadd.f32 v36, v9;
	v13 =	vadd.f32 v37, v13  }
0x159: {  	v39 =	vbroadcast v27, $0x7;
	v17 =	vmul.f32 v17, v38  }
0x15a: {  	v40 =	vmul.f32 v16, v16;
	v9 =	vadd.f32 v20, v9;
	v8 =	vadd.f32 v8, v13  }
0x15b: {  	v41 =	vbroadcast v27, $0x8;
	v10 =	vld.idx.msk [tilespmem:v10+s16+$0x0], $0xffff;
	v42 =	vmul.f32 v19, v39  }
0x15c: {  	v43 =	vmul.f32 v14, v14;
	v9 =	vadd.f32 v17, v9;
	v8 =	vadd.f32 v40, v8  }
0x15d: {  	v44 =	vbroadcast v27, $0x9;
	v7 =	vld.idx.msk [tilespmem:v7+s16+$0x0], $0xffff;
	v45 =	vmul.f32 v12, v12  }
0x15e: {  	v9 =	vadd.f32 v42, v9;
	v13 =	vmul.f32 v18, v41;
	v8 =	vadd.f32 v43, v8  }
0x15f: {  	v47 =	vbroadcast v27, $0xA;
	v46 =	vmul.f32 v15, v44  }
0x160: {  	v48 =	vmul.f32 v10, v10;
	v9 =	vadd.f32 v13, v9;
	v8 =	vadd.f32 v45, v8  }
0x161: {  	v49 =	vbroadcast v27, $0xB;
	v11 =	vmul.f32 v11, v47  }
0x162: {  	v50 =	vmul.f32 v7, v7;
	v9 =	vadd.f32 v46, v9;
	v8 =	vadd.f32 v48, v8  }
0x163: {  	v51 =	vbroadcast v27, $0xC  }
0x164: {  	v52 =	vmul.f32 v16, v49;
	v9 =	vadd.f32 v11, v9;
	v8 =	vadd.f32 v50, v8  }
0x165: {  	v53 =	vbroadcast v27, $0xD  }
0x166: {  	v54 =	vmul.f32 v14, v51;
	v9 =	vadd.f32 v52, v9;
	v55 =	vsub.f32 $1.000000000e+00, v8  }
0x167: {  	v56 =	vbroadcast v27, $0xE  }
0x168: {  	v57 =	vmul.f32 v12, v53;
	v9 =	vadd.f32 v54, v9;
	v58 =	vmul.f32 v55, v5  }
0x169: {  	v59 =	vbroadcast v27, $0xF  }
0x16a: {  	v10 =	vmul.f32 v10, v56;
	v9 =	vadd.f32 v57, v9;
	v60 =	vadd.f32 $9.999999740e-06, v58;
	_ =	sdelay $0x1  }
0x16b: {  	v7 =	vmul.f32 v7, v59;
	v9 =	vadd.f32 v10, v9;
	(erf) = vrcp.f32 v60;
	_ =	sdelay $0x1  }
0x16c: {  	v7 =	vadd.f32 v7, v9;
	_ =	sdelay $0x1  }
0x16d: {  	v8 =	vadd.f32 v8, v4;
	v7 =	vadd.f32 v7, v7;
	_ =	sdelay $0x1  }
0x16e: {  	v7 =	vsub.f32 v8, v7;
	_ =	sdelay $0x1  }
0x16f: {  	v7 =	vadd.f32 v7, v7  }
0x170: {  	v8 =	vpop (erf)  }
0x171: {  	v7 =	vmul.f32 v8, v7;
	_ =	sdelay $0x1  }
0x172: {  	v7 =	vadd.f32 $1.000000000e+00, v7;
	_ =	sdelay $0x1  }
0x173: {  	v7 =	vmax.f32 v7, $1.000010010e+00  }
0x174: {  	v8 =	vadd.f32 $-1.000000000e+00, v7;
	v61 =	vadd.f32 $1.000000000e+00, v7;
	_ =	sdelay $0x1  }
0x175: {  	v8 =	vmul.f32 v61, v8;
	_ =	sdelay $0x1  }
0x176: {  	v9 =	vshrl.u32 v8, $0x1;
	v62 =	vmul.f32 $5.000000000e-01, v8  }
0x177: {  	v9 =	vsub.s32 $0x5F3759DF, v9  }
0x178: {  	v63 =	vmul.f32 v9, v62;
	_ =	sdelay $0x1  }
0x179: {  	v11 =	vmul.f32 v9, v63;
	_ =	sdelay $0x1  }
0x17a: {  	v11 =	vsub.f32 $1.500000000e+00, v11;
	_ =	sdelay $0x1  }
0x17b: {  	v9 =	vmul.f32 v9, v11;
	_ =	sdelay $0x1  }
0x17c: {  	v11 =	vmul.f32 v9, v62;
	_ =	sdelay $0x1  }
0x17d: {  	v11 =	vmul.f32 v11, v9;
	_ =	sdelay $0x1  }
0x17e: {  	v11 =	vsub.f32 $1.500000000e+00, v11;
	_ =	sdelay $0x1  }
0x17f: {  	v9 =	vmul.f32 v11, v9;
	_ =	sdelay $0x1  }
0x180: {  	v10 =	vmul.f32 v9, v62;
	_ =	sdelay $0x1  }
0x181: {  	v10 =	vmul.f32 v10, v9;
	_ =	sdelay $0x1  }
0x182: {  	v10 =	vsub.f32 $1.500000000e+00, v10;
	_ =	sdelay $0x1  }
0x183: {  	v9 =	vmul.f32 v10, v9;
	_ =	sdelay $0x1  }
0x184: {  	v8 =	vmul.f32 v9, v8;
	_ =	sdelay $0x1  }
0x185: {  	v7 =	vadd.f32 v8, v7;
	_ =	sdelay $0x1  }
0x186: {  	(erf) = vrcp.f32 v7;
	_ =	sdelay $0x5  }
0x187: {  	v7 =	vld [tilespmem:$0x17280]  }
0x188: {  	s24 =	sadd.s32 $0x1, s24  }
0x189: {  	p0 =	seq.s32 s24, $0x7  }
.Ltmp3:
0x18a: {  	vm1 =	vlt.u32 v6, $0x64;
	v8 =	vpop (erf);
	(pc) =	sbr.rel @!p0 .LBB2_8-.Ltmp3, $3  }
0x18b: {  	v6 =	vnsel vm1, $0x0, v8  }
0x18c: {  	v6 =	vadd.f32 v7, v6;
	_ =	sdelay $0x1  }
0x18d: {  	[tilespmem:$0x17280] =	vst v6  }
0x18e: {  	p0 =	seq.s32 s22, $0x100  }
.Ltmp4:
0x18f: {  	_ = 	snop;
	(pc) =	sbr.rel @!p0 .LBB2_7-.Ltmp4, $1  }
0x190: {  	_ =	sdelay $0x3  }
0x191: {  	(xrf2) =	vadd.scan.msk.f32 $0xffff, v6;
	_ =	sdelay $0x6  }
0x192: {  	[tilespmem:$0x17310] =	vst v1  }
0x193: {  	[tilespmem:$0x17320] =	vst v1  }
0x194: {  	[tilespmem:$0x17330] =	vst v1  }
0x195: {  	[tilespmem:$0x17340] =	vst v1;
	v3, _, _ =	vpop (xrf2)  }
0x196: {  	[tilespmem:$0x17350] =	vst v1;
	v3 =	vbroadcast v3, $0xF  }
0x197: {  	[tilespmem:$0x17360] =	vst v1;
	s21 =	sadd.s32 $0x1, s21  }
0x198: {  	[tilespmem:$0x17370] =	vst v1;
	p0 =	sne.s32 s21, s9;
	v3 =	vnsel vm0, $0x0, v3  }
.Ltmp5:
0x199: {  	[tilespmem:$0x17300] =	vst v3;
	(pc) =	sbr.rel @p0 .LBB2_1-.Ltmp5, $4  }
0x19a: {  	[hbm4b:s8+s3] =	stream.linear.scatter [tilespmem:s20], [sflag:$0x3], $0x80, $0x38;
	[tilespmem:$0x17380] =	vst v63  }
0x19b: {  	_ =	swait.ge [sflag:s10], $0x80  }
0x19c: {  	[sflag:s10] =	ssyncset.done $0x0  }
0x19d: {  	[sflag:s10] =	ssyncadd.s32 $0xFFFFFF80  }
0x19e: {  	_ =	sfence.sel $0x180000  }
0x19f: {  	[bflag:$0x0] =	sbarrier.arrive $0xFFFF  }
0x1a0: {  	_ =	strace $0x90000047  }
0x1a1: {  	s0 =	stileid.u32;
	[bflag:$0x2] =	sbarrier.arrive $0xFFFF  }
0x1a2: {  	p0 =	sne.s32 s0, $0x0;
	s0 =	rddreg [dreg:$0x5]  }
0x1a3: {  	s0 =	sadd.s32 @!p0 $0x100000, s0  }
0x1a4: {  	[sflag:s0] =	ssyncadd.tile.s32 @!p0 $0x1;
	_ =	shalt  }
.Lfunc_end2:
_tile_overlayer_lowered:
.L_overlay_start_2:
0x1a5: {  	(tag) =	ssettag $0x2  }
0x1a6: {  	s0 =	rddreg [dreg:$0x0];
	s2 =	stileid.u32  }
0x1a7: {  	s1 =	rddreg [dreg:$0x1];
	p0 =	sne.s32 s2, $0x0  }
0x1a8: {  	s3 =	rddreg [dreg:$0x2];
	[bflag:$0x3] =	sbarrier.arrive $0xFFFF;
	s2 =	simm.s32 @!p0 $0x1C03  }
0x1a9: {  	[timem:s3], [sflag:s2] =	dma.local @!p0 [hbm:s0], s1  }
0x1aa: {  	s0 =	simm.s32 @!p0 $0x3  }
0x1ab: {  	_ =	swait.ge @!p0 [sflag:s0], s1  }
0x1ac: {  	s1 =	ssub.s32 @!p0 $0x0, s1;
	[sflag:s0] =	ssyncset.done @!p0 $0x0  }
0x1ad: {  	[sflag:s0] =	ssyncadd.s32 @!p0 s1  }
0x1ae: {  	[bflag:$0x3] =	sbarrier.arrive $0xFFFF  }
0x1af: {  	_ =	shalt  }

</sc_bundles>
